<compile_context>
chip_gen: v7x
topology: tpu7x:2x2x1
jax: 0.10.2.dev20260603
libtpu: 0.0.44.dev20260713+nightly
codegen_flags: <defaults>
</compile_context>

<pallas_src>
import jax
import jax.numpy as jnp
from jax import lax
from jax.experimental import pallas as pl
from jax.experimental.pallas import tpu as pltpu
from jax.experimental.pallas import tpu_sc as plsc

CMAX = 1024
NBUF = 5
LA = 3


def _sc_gather_body(labels_hbm, emb_hbm, out_hbm, idx_v, rows_v, sem):
    wid = lax.axis_index("s") * 2 + lax.axis_index("c")

    @pl.when(wid == 0)
    def _():
        pltpu.sync_copy(labels_hbm, idx_v)
        pltpu.async_copy(emb_hbm.at[idx_v], rows_v, sem).wait()
        pltpu.sync_copy(rows_v, out_hbm)


def _sc_gather(labels8, emb_weight):
    d = emb_weight.shape[1]
    mesh = plsc.VectorSubcoreMesh(core_axis_name="c", subcore_axis_name="s")
    return pl.kernel(
        _sc_gather_body,
        mesh=mesh,
        out_type=jax.ShapeDtypeStruct((8, d), jnp.float32),
        scratch_types=[
            pltpu.VMEM((8,), jnp.int32),
            pltpu.VMEM((8, d), jnp.float32),
            pltpu.SemaphoreType.DMA,
        ],
    )(labels8, emb_weight)


def _chunk_schedule(batch, seq):
    first = [256, 256, 512] + [CMAX] * ((seq - 1024) // CMAX)
    mid = [CMAX] * (seq // CMAX)
    last = list(reversed(first))
    chunks = []
    for b in range(batch):
        sizes = first if b == 0 else (last if b == batch - 1 else mid)
        r = b * seq
        for sz in sizes:
            chunks.append((r, sz, b))
            r += sz
    return chunks


def _make_body(batch, seq, d):
    chunks = _chunk_schedule(batch, seq)
    nchunk = len(chunks)

    def body(ctx_any, cls_v, out_any, buf, sem_in, sem_out):
        copies_in = {}
        copies_out = {}

        def issue_in(j):
            slot = j % NBUF
            if j >= NBUF:
                copies_out[j - NBUF].wait()
            start, sz, _ = chunks[j]
            cp = pltpu.make_async_copy(
                ctx_any.at[pl.ds(start, sz)], buf.at[slot, pl.ds(0, sz)],
                sem_in.at[slot],
            )
            cp.start()
            copies_in[j] = cp

        for j in range(min(LA, nchunk)):
            issue_in(j)

        for i in range(nchunk):
            slot = i % NBUF
            copies_in[i].wait()
            start, sz, b = chunks[i]
            buf[slot, pl.ds(0, sz)] = buf[slot, pl.ds(0, sz)] + cls_v[b]
            cp = pltpu.make_async_copy(
                buf.at[slot, pl.ds(0, sz)], out_any.at[pl.ds(start, sz)],
                sem_out.at[slot],
            )
            cp.start()
            copies_out[i] = cp
            if i + LA < nchunk:
                issue_in(i + LA)

        for i in range(max(0, nchunk - NBUF), nchunk):
            copies_out[i].wait()

    return body


@jax.jit
def kernel(ctx_vec, labels, emb_weight):
    batch, seq, d = ctx_vec.shape
    labels8 = jnp.zeros((8,), jnp.int32).at[:batch].set(labels.astype(jnp.int32))
    cls8 = _sc_gather(labels8, emb_weight)
    flat = ctx_vec.reshape(batch * seq, d)
    out = pl.pallas_call(
        _make_body(batch, seq, d),
        in_specs=[
            pl.BlockSpec(memory_space=pltpu.MemorySpace.HBM),
            pl.BlockSpec(memory_space=pltpu.VMEM),
        ],
        out_specs=pl.BlockSpec(memory_space=pltpu.MemorySpace.HBM),
        out_shape=jax.ShapeDtypeStruct((batch * seq, d), ctx_vec.dtype),
        scratch_shapes=[
            pltpu.VMEM((NBUF, CMAX, d), jnp.float32),
            pltpu.SemaphoreType.DMA((NBUF,)),
            pltpu.SemaphoreType.DMA((NBUF,)),
        ],
        compiler_params=pltpu.CompilerParams(
            vmem_limit_bytes=60 * 1024 * 1024,
        ),
    )(flat, cls8)
    return out.reshape(batch, seq, d)

# --- scband reference (transcript-rebuilt; emitter-appended) ---
"""Pipeline reference for scband-class-embedder-53704271069577 (READ-ONLY COPY).

The authoritative reference and input builder live on the scoring server;
editing this copy changes nothing except your own understanding.
"""

import jax, jax.numpy as jnp
import numpy as np

NUM_CLASSES = 1000
D_CTX = 2048
BATCH = 4
SEQ = 4096


def setup_inputs(seed: int = 0) -> dict:
    key = jax.random.key(seed)
    k1, k2, k3 = jax.random.split(key, 3)
    ctx_vec = jax.random.normal(k1, (BATCH, SEQ, D_CTX), dtype=jnp.float32)
    labels = jax.random.randint(k2, (BATCH,), 0, NUM_CLASSES, dtype=jnp.int64) if jax.config.jax_enable_x64 else jax.random.randint(k2, (BATCH,), 0, NUM_CLASSES, dtype=jnp.int32)
    emb_weight = jax.random.normal(k3, (NUM_CLASSES, D_CTX), dtype=jnp.float32)
    return {"ctx_vec": ctx_vec, "labels": labels, "emb_weight": emb_weight}


def reference(ctx_vec, labels, emb_weight):
    # nn.Embedding lookup: table[labels] -> [B, d_ctx]
    cls = jnp.take(emb_weight, labels, axis=0)
    if ctx_vec.ndim == 3:
        cls = cls[:, None, :]
    return ctx_vec + cls

if __name__ == "__main__":
    import jax
    _d = setup_inputs()
    print(jax.jit(kernel)(*tuple(_d.values())))

</pallas_src>

<mosaic_0001>
#map = affine_map<(d0, d1) -> (0)>
#map1 = affine_map<(d0, d1) -> (0, 0)>
module attributes {stable_mosaic.version = 14 : i64} {
  func.func @_sc_gather_body(%arg0: i32, %arg1: i32, %arg2: memref<8xi32, #tpu.memory_space<hbm>>, %arg3: memref<1000x2048xf32, #tpu.memory_space<hbm>>, %arg4: memref<8x2048xf32, #tpu.memory_space<hbm>>, %arg5: memref<8xi32, #tpu.memory_space<vmem>>, %arg6: memref<8x2048xf32, #tpu.memory_space<vmem>>, %arg7: memref<!tpu.dma_semaphore, #tpu.memory_space<semaphore_mem>>) attributes {dimension_semantics = [#tpu.dimension_semantics<core_parallel>, #tpu.dimension_semantics<subcore_parallel>], iteration_bounds = array<i64: 2, 16>, scalar_prefetch = 0 : i64, scratch_operands = 3 : i64, tpu.core_type = #tpu.core_type<sc_vector_subcore>, window_params = [{transform_indices = #map}, {transform_indices = #map1}, {transform_indices = #map1}]} {
    %mul3A = arith.constant 2 : i32
    %mul3A_0 = arith.muli %arg1, %mul3A : i32
    %add3A = arith.addi %mul3A_0, %arg0 : i32
    %eq3A = arith.constant 0 : i32
    %eq3A_1 = arith.cmpi eq, %add3A, %eq3A : i32
    %convert_element_type3A = arith.extui %eq3A_1 : i1 to i32
    %cond3A = arith.constant 0 : i32
    %cond3A_2 = arith.cmpi ne, %convert_element_type3A, %cond3A : i32
    scf.if %cond3A_2 {
      "tpu.region"() ({
        %run_scoped3A = tpu.sem_alloc : memref<!tpu.dma_semaphore, #tpu.memory_space<semaphore_mem>>
        tpu.enqueue_dma source(%arg2 : memref<8xi32, #tpu.memory_space<hbm>>) target(%arg5 : memref<8xi32, #tpu.memory_space<vmem>>) target_semaphore(%run_scoped3A : memref<!tpu.dma_semaphore, #tpu.memory_space<semaphore_mem>>)
        tpu.wait_dma2 semaphore(%run_scoped3A : memref<!tpu.dma_semaphore, #tpu.memory_space<semaphore_mem>>) src(%arg2 : memref<8xi32, #tpu.memory_space<hbm>>) dst(%arg5 : memref<8xi32, #tpu.memory_space<vmem>>)
        tpu.yield
      }) : () -> ()
      %dma_start3A = arith.constant 0 : i32
      %dma_start3A_3 = arith.constant 0 : i32
      %dma_start3A_4 = tpu.memref_slice %arg3[%dma_start3A, %dma_start3A_3] : memref<1000x2048xf32, #tpu.memory_space<hbm>> -> memref<1000x2048xf32, #tpu.memory_space<hbm>>
      tpu.enqueue_indirect_dma source(%dma_start3A_4 : memref<1000x2048xf32, #tpu.memory_space<hbm>>) target(%arg6 : memref<8x2048xf32, #tpu.memory_space<vmem>>) offsets(%arg5 : memref<8xi32, #tpu.memory_space<vmem>>) semaphore(%arg7 : memref<!tpu.dma_semaphore, #tpu.memory_space<semaphore_mem>>)
      %dma_wait3A = arith.constant 0 : i32
      %dma_wait3A_5 = arith.constant 0 : i32
      %dma_wait3A_6 = tpu.memref_slice %arg3[%dma_wait3A, %dma_wait3A_5] : memref<1000x2048xf32, #tpu.memory_space<hbm>> -> memref<1000x2048xf32, #tpu.memory_space<hbm>>
      tpu.wait_indirect_dma semaphore(%arg7 : memref<!tpu.dma_semaphore, #tpu.memory_space<semaphore_mem>>) src(%dma_wait3A_6 : memref<1000x2048xf32, #tpu.memory_space<hbm>>) dst(%arg6 : memref<8x2048xf32, #tpu.memory_space<vmem>>)
      "tpu.region"() ({
        %run_scoped3A = tpu.sem_alloc : memref<!tpu.dma_semaphore, #tpu.memory_space<semaphore_mem>>
        tpu.enqueue_dma source(%arg6 : memref<8x2048xf32, #tpu.memory_space<vmem>>) target(%arg4 : memref<8x2048xf32, #tpu.memory_space<hbm>>) target_semaphore(%run_scoped3A : memref<!tpu.dma_semaphore, #tpu.memory_space<semaphore_mem>>)
        tpu.wait_dma2 semaphore(%run_scoped3A : memref<!tpu.dma_semaphore, #tpu.memory_space<semaphore_mem>>) src(%arg6 : memref<8x2048xf32, #tpu.memory_space<vmem>>) dst(%arg4 : memref<8x2048xf32, #tpu.memory_space<hbm>>)
        tpu.yield
      }) : () -> ()
    } else {
    }
    return
  }
}

module attributes {stable_mosaic.version = 14 : i64} {
  func.func @body(%arg0: memref<16384x2048xf32, #tpu.memory_space<hbm>>, %arg1: memref<8x2048xf32, #tpu.memory_space<vmem>>, %arg2: memref<16384x2048xf32, #tpu.memory_space<hbm>>, %arg3: memref<5x1024x2048xf32, #tpu.memory_space<vmem>>, %arg4: memref<5x!tpu.dma_semaphore, #tpu.memory_space<semaphore_mem>>, %arg5: memref<5x!tpu.dma_semaphore, #tpu.memory_space<semaphore_mem>>) attributes {dimension_semantics = [], scalar_prefetch = 0 : i64, scratch_operands = 3 : i64, tpu.core_type = #tpu.core_type<tc>} {
    %dma_start3A = arith.constant 0 : i32
    %dma_start3A_0 = arith.constant 0 : i32
    %dma_start3A_1 = tpu.memref_slice %arg4[%dma_start3A_0] : memref<5x!tpu.dma_semaphore, #tpu.memory_space<semaphore_mem>> -> memref<1x!tpu.dma_semaphore, #tpu.memory_space<semaphore_mem>>
    %dma_start3A_2 = tpu.memref_squeeze %dma_start3A_1 : memref<1x!tpu.dma_semaphore, #tpu.memory_space<semaphore_mem>> -> memref<!tpu.dma_semaphore, #tpu.memory_space<semaphore_mem>>
    %dma_start3A_3 = arith.constant 0 : i32
    %dma_start3A_4 = arith.constant 0 : i32
    %dma_start3A_5 = tpu.memref_slice %arg3[%dma_start3A, %dma_start3A_3, %dma_start3A_4] : memref<5x1024x2048xf32, #tpu.memory_space<vmem>> -> memref<1x256x2048xf32, #tpu.memory_space<vmem>>
    %dma_start3A_6 = tpu.memref_squeeze %dma_start3A_5 : memref<1x256x2048xf32, #tpu.memory_space<vmem>> -> memref<256x2048xf32, #tpu.memory_space<vmem>>
    %dma_start3A_7 = arith.constant 0 : i32
    %dma_start3A_8 = arith.constant 0 : i32
    %dma_start3A_9 = tpu.memref_slice %arg0[%dma_start3A_7, %dma_start3A_8] : memref<16384x2048xf32, #tpu.memory_space<hbm>> -> memref<256x2048xf32, #tpu.memory_space<hbm>>
    tpu.enqueue_dma source(%dma_start3A_9 : memref<256x2048xf32, #tpu.memory_space<hbm>>) target(%dma_start3A_6 : memref<256x2048xf32, #tpu.memory_space<vmem>>) target_semaphore(%dma_start3A_2 : memref<!tpu.dma_semaphore, #tpu.memory_space<semaphore_mem>>)
    %dma_start3A_10 = arith.constant 1 : i32
    %dma_start3A_11 = arith.constant 1 : i32
    %dma_start3A_12 = tpu.memref_slice %arg4[%dma_start3A_11] : memref<5x!tpu.dma_semaphore, #tpu.memory_space<semaphore_mem>> -> memref<1x!tpu.dma_semaphore, #tpu.memory_space<semaphore_mem>>
    %dma_start3A_13 = tpu.memref_squeeze %dma_start3A_12 : memref<1x!tpu.dma_semaphore, #tpu.memory_space<semaphore_mem>> -> memref<!tpu.dma_semaphore, #tpu.memory_space<semaphore_mem>>
    %dma_start3A_14 = arith.constant 0 : i32
    %dma_start3A_15 = arith.constant 0 : i32
    %dma_start3A_16 = tpu.memref_slice %arg3[%dma_start3A_10, %dma_start3A_14, %dma_start3A_15] : memref<5x1024x2048xf32, #tpu.memory_space<vmem>> -> memref<1x256x2048xf32, #tpu.memory_space<vmem>>
    %dma_start3A_17 = tpu.memref_squeeze %dma_start3A_16 : memref<1x256x2048xf32, #tpu.memory_space<vmem>> -> memref<256x2048xf32, #tpu.memory_space<vmem>>
    %dma_start3A_18 = arith.constant 256 : i32
    %dma_start3A_19 = arith.constant 0 : i32
    %dma_start3A_20 = tpu.memref_slice %arg0[%dma_start3A_18, %dma_start3A_19] : memref<16384x2048xf32, #tpu.memory_space<hbm>> -> memref<256x2048xf32, #tpu.memory_space<hbm>>
    tpu.enqueue_dma source(%dma_start3A_20 : memref<256x2048xf32, #tpu.memory_space<hbm>>) target(%dma_start3A_17 : memref<256x2048xf32, #tpu.memory_space<vmem>>) target_semaphore(%dma_start3A_13 : memref<!tpu.dma_semaphore, #tpu.memory_space<semaphore_mem>>)
    %dma_start3A_21 = arith.constant 2 : i32
    %dma_start3A_22 = arith.constant 2 : i32
    %dma_start3A_23 = tpu.memref_slice %arg4[%dma_start3A_22] : memref<5x!tpu.dma_semaphore, #tpu.memory_space<semaphore_mem>> -> memref<1x!tpu.dma_semaphore, #tpu.memory_space<semaphore_mem>>
    %dma_start3A_24 = tpu.memref_squeeze %dma_start3A_23 : memref<1x!tpu.dma_semaphore, #tpu.memory_space<semaphore_mem>> -> memref<!tpu.dma_semaphore, #tpu.memory_space<semaphore_mem>>
    %dma_start3A_25 = arith.constant 0 : i32
    %dma_start3A_26 = arith.constant 0 : i32
    %dma_start3A_27 = tpu.memref_slice %arg3[%dma_start3A_21, %dma_start3A_25, %dma_start3A_26] : memref<5x1024x2048xf32, #tpu.memory_space<vmem>> -> memref<1x512x2048xf32, #tpu.memory_space<vmem>>
    %dma_start3A_28 = tpu.memref_squeeze %dma_start3A_27 : memref<1x512x2048xf32, #tpu.memory_space<vmem>> -> memref<512x2048xf32, #tpu.memory_space<vmem>>
    %dma_start3A_29 = arith.constant 512 : i32
    %dma_start3A_30 = arith.constant 0 : i32
    %dma_start3A_31 = tpu.memref_slice %arg0[%dma_start3A_29, %dma_start3A_30] : memref<16384x2048xf32, #tpu.memory_space<hbm>> -> memref<512x2048xf32, #tpu.memory_space<hbm>>
    tpu.enqueue_dma source(%dma_start3A_31 : memref<512x2048xf32, #tpu.memory_space<hbm>>) target(%dma_start3A_28 : memref<512x2048xf32, #tpu.memory_space<vmem>>) target_semaphore(%dma_start3A_24 : memref<!tpu.dma_semaphore, #tpu.memory_space<semaphore_mem>>)
    %dma_wait3A = arith.constant 0 : i32
    %dma_wait3A_32 = arith.constant 0 : i32
    %dma_wait3A_33 = tpu.memref_slice %arg4[%dma_wait3A_32] : memref<5x!tpu.dma_semaphore, #tpu.memory_space<semaphore_mem>> -> memref<1x!tpu.dma_semaphore, #tpu.memory_space<semaphore_mem>>
    %dma_wait3A_34 = tpu.memref_squeeze %dma_wait3A_33 : memref<1x!tpu.dma_semaphore, #tpu.memory_space<semaphore_mem>> -> memref<!tpu.dma_semaphore, #tpu.memory_space<semaphore_mem>>
    %dma_wait3A_35 = arith.constant 0 : i32
    %dma_wait3A_36 = arith.constant 0 : i32
    %dma_wait3A_37 = tpu.memref_slice %arg3[%dma_wait3A, %dma_wait3A_35, %dma_wait3A_36] : memref<5x1024x2048xf32, #tpu.memory_space<vmem>> -> memref<1x256x2048xf32, #tpu.memory_space<vmem>>
    %dma_wait3A_38 = tpu.memref_squeeze %dma_wait3A_37 : memref<1x256x2048xf32, #tpu.memory_space<vmem>> -> memref<256x2048xf32, #tpu.memory_space<vmem>>
    %dma_wait3A_39 = arith.constant 0 : i32
    %dma_wait3A_40 = arith.constant 0 : i32
    %dma_wait3A_41 = tpu.memref_slice %arg0[%dma_wait3A_39, %dma_wait3A_40] : memref<16384x2048xf32, #tpu.memory_space<hbm>> -> memref<256x2048xf32, #tpu.memory_space<hbm>>
    tpu.wait_dma2 semaphore(%dma_wait3A_34 : memref<!tpu.dma_semaphore, #tpu.memory_space<semaphore_mem>>) src(%dma_wait3A_41 : memref<256x2048xf32, #tpu.memory_space<hbm>>) dst(%dma_wait3A_38 : memref<256x2048xf32, #tpu.memory_space<vmem>>)
    %get3A = arith.constant 0 : index
    %get3A_42 = arith.constant 0 : index
    %get3A_43 = arith.constant 0 : index
    %get3A_44 = vector.load %arg3[%get3A, %get3A_42, %get3A_43] : memref<5x1024x2048xf32, #tpu.memory_space<vmem>>, vector<1x256x2048xf32>
    %get3A_45 = vector.shape_cast %get3A_44 : vector<1x256x2048xf32> to vector<256x2048xf32>
    %get3A_46 = arith.constant 0 : index
    %get3A_47 = arith.constant 0 : index
    %get3A_48 = vector.load %arg1[%get3A_46, %get3A_47] : memref<8x2048xf32, #tpu.memory_space<vmem>>, vector<1x2048xf32>
    %get3A_49 = vector.shape_cast %get3A_48 : vector<1x2048xf32> to vector<2048xf32>
    %broadcast_in_dim3A = vector.shape_cast %get3A_49 : vector<2048xf32> to vector<1x2048xf32>
    %add3A = vector.broadcast %broadcast_in_dim3A : vector<1x2048xf32> to vector<256x2048xf32>
    %add3A_50 = arith.addf %get3A_45, %add3A : vector<256x2048xf32>
    %swap3A = arith.constant 0 : index
    %swap3A_51 = arith.constant 0 : index
    %swap3A_52 = arith.constant 0 : index
    %swap3A_53 = vector.load %arg3[%swap3A, %swap3A_51, %swap3A_52] : memref<5x1024x2048xf32, #tpu.memory_space<vmem>>, vector<1x256x2048xf32>
    %swap3A_54 = vector.shape_cast %swap3A_53 : vector<1x256x2048xf32> to vector<256x2048xf32>
    %swap3A_55 = vector.shape_cast %add3A_50 : vector<256x2048xf32> to vector<1x256x2048xf32>
    tpu.vector_store %arg3[%swap3A, %swap3A_51, %swap3A_52], %swap3A_55 {strides = array<i32>} : memref<5x1024x2048xf32, #tpu.memory_space<vmem>>, vector<1x256x2048xf32>,
    %dma_start3A_56 = arith.constant 0 : i32
    %dma_start3A_57 = arith.constant 0 : i32
    %dma_start3A_58 = tpu.memref_slice %arg5[%dma_start3A_57] : memref<5x!tpu.dma_semaphore, #tpu.memory_space<semaphore_mem>> -> memref<1x!tpu.dma_semaphore, #tpu.memory_space<semaphore_mem>>
    %dma_start3A_59 = tpu.memref_squeeze %dma_start3A_58 : memref<1x!tpu.dma_semaphore, #tpu.memory_space<semaphore_mem>> -> memref<!tpu.dma_semaphore, #tpu.memory_space<semaphore_mem>>
    %dma_start3A_60 = arith.constant 0 : i32
    %dma_start3A_61 = arith.constant 0 : i32
    %dma_start3A_62 = tpu.memref_slice %arg2[%dma_start3A_60, %dma_start3A_61] : memref<16384x2048xf32, #tpu.memory_space<hbm>> -> memref<256x2048xf32, #tpu.memory_space<hbm>>
    %dma_start3A_63 = arith.constant 0 : i32
    %dma_start3A_64 = arith.constant 0 : i32
    %dma_start3A_65 = tpu.memref_slice %arg3[%dma_start3A_56, %dma_start3A_63, %dma_start3A_64] : memref<5x1024x2048xf32, #tpu.memory_space<vmem>> -> memref<1x256x2048xf32, #tpu.memory_space<vmem>>
    %dma_start3A_66 = tpu.memref_squeeze %dma_start3A_65 : memref<1x256x2048xf32, #tpu.memory_space<vmem>> -> memref<256x2048xf32, #tpu.memory_space<vmem>>
    tpu.enqueue_dma source(%dma_start3A_66 : memref<256x2048xf32, #tpu.memory_space<vmem>>) target(%dma_start3A_62 : memref<256x2048xf32, #tpu.memory_space<hbm>>) target_semaphore(%dma_start3A_59 : memref<!tpu.dma_semaphore, #tpu.memory_space<semaphore_mem>>)
    %dma_start3A_67 = arith.constant 3 : i32
    %dma_start3A_68 = arith.constant 3 : i32
    %dma_start3A_69 = tpu.memref_slice %arg4[%dma_start3A_68] : memref<5x!tpu.dma_semaphore, #tpu.memory_space<semaphore_mem>> -> memref<1x!tpu.dma_semaphore, #tpu.memory_space<semaphore_mem>>
    %dma_start3A_70 = tpu.memref_squeeze %dma_start3A_69 : memref<1x!tpu.dma_semaphore, #tpu.memory_space<semaphore_mem>> -> memref<!tpu.dma_semaphore, #tpu.memory_space<semaphore_mem>>
    %dma_start3A_71 = arith.constant 0 : i32
    %dma_start3A_72 = arith.constant 0 : i32
    %dma_start3A_73 = tpu.memref_slice %arg3[%dma_start3A_67, %dma_start3A_71, %dma_start3A_72] : memref<5x1024x2048xf32, #tpu.memory_space<vmem>> -> memref<1x1024x2048xf32, #tpu.memory_space<vmem>>
    %dma_start3A_74 = tpu.memref_squeeze %dma_start3A_73 : memref<1x1024x2048xf32, #tpu.memory_space<vmem>> -> memref<1024x2048xf32, #tpu.memory_space<vmem>>
    %dma_start3A_75 = arith.constant 1024 : i32
    %dma_start3A_76 = arith.constant 0 : i32
    %dma_start3A_77 = tpu.memref_slice %arg0[%dma_start3A_75, %dma_start3A_76] : memref<16384x2048xf32, #tpu.memory_space<hbm>> -> memref<1024x2048xf32, #tpu.memory_space<hbm>>
    tpu.enqueue_dma source(%dma_start3A_77 : memref<1024x2048xf32, #tpu.memory_space<hbm>>) target(%dma_start3A_74 : memref<1024x2048xf32, #tpu.memory_space<vmem>>) target_semaphore(%dma_start3A_70 : memref<!tpu.dma_semaphore, #tpu.memory_space<semaphore_mem>>)
    %dma_wait3A_78 = arith.constant 1 : i32
    %dma_wait3A_79 = arith.constant 1 : i32
    %dma_wait3A_80 = tpu.memref_slice %arg4[%dma_wait3A_79] : memref<5x!tpu.dma_semaphore, #tpu.memory_space<semaphore_mem>> -> memref<1x!tpu.dma_semaphore, #tpu.memory_space<semaphore_mem>>
    %dma_wait3A_81 = tpu.memref_squeeze %dma_wait3A_80 : memref<1x!tpu.dma_semaphore, #tpu.memory_space<semaphore_mem>> -> memref<!tpu.dma_semaphore, #tpu.memory_space<semaphore_mem>>
    %dma_wait3A_82 = arith.constant 0 : i32
    %dma_wait3A_83 = arith.constant 0 : i32
    %dma_wait3A_84 = tpu.memref_slice %arg3[%dma_wait3A_78, %dma_wait3A_82, %dma_wait3A_83] : memref<5x1024x2048xf32, #tpu.memory_space<vmem>> -> memref<1x256x2048xf32, #tpu.memory_space<vmem>>
    %dma_wait3A_85 = tpu.memref_squeeze %dma_wait3A_84 : memref<1x256x2048xf32, #tpu.memory_space<vmem>> -> memref<256x2048xf32, #tpu.memory_space<vmem>>
    %dma_wait3A_86 = arith.constant 256 : i32
    %dma_wait3A_87 = arith.constant 0 : i32
    %dma_wait3A_88 = tpu.memref_slice %arg0[%dma_wait3A_86, %dma_wait3A_87] : memref<16384x2048xf32, #tpu.memory_space<hbm>> -> memref<256x2048xf32, #tpu.memory_space<hbm>>
    tpu.wait_dma2 semaphore(%dma_wait3A_81 : memref<!tpu.dma_semaphore, #tpu.memory_space<semaphore_mem>>) src(%dma_wait3A_88 : memref<256x2048xf32, #tpu.memory_space<hbm>>) dst(%dma_wait3A_85 : memref<256x2048xf32, #tpu.memory_space<vmem>>)
    %get3A_89 = arith.constant 1 : index
    %get3A_90 = arith.constant 0 : index
    %get3A_91 = arith.constant 0 : index
    %get3A_92 = vector.load %arg3[%get3A_89, %get3A_90, %get3A_91] : memref<5x1024x2048xf32, #tpu.memory_space<vmem>>, vector<1x256x2048xf32>
    %get3A_93 = vector.shape_cast %get3A_92 : vector<1x256x2048xf32> to vector<256x2048xf32>
    %get3A_94 = arith.constant 0 : index
    %get3A_95 = arith.constant 0 : index
    %get3A_96 = vector.load %arg1[%get3A_94, %get3A_95] : memref<8x2048xf32, #tpu.memory_space<vmem>>, vector<1x2048xf32>
    %get3A_97 = vector.shape_cast %get3A_96 : vector<1x2048xf32> to vector<2048xf32>
    %broadcast_in_dim3A_98 = vector.shape_cast %get3A_97 : vector<2048xf32> to vector<1x2048xf32>
    %add3A_99 = vector.broadcast %broadcast_in_dim3A_98 : vector<1x2048xf32> to vector<256x2048xf32>
    %add3A_100 = arith.addf %get3A_93, %add3A_99 : vector<256x2048xf32>
    %swap3A_101 = arith.constant 1 : index
    %swap3A_102 = arith.constant 0 : index
    %swap3A_103 = arith.constant 0 : index
    %swap3A_104 = vector.load %arg3[%swap3A_101, %swap3A_102, %swap3A_103] : memref<5x1024x2048xf32, #tpu.memory_space<vmem>>, vector<1x256x2048xf32>
    %swap3A_105 = vector.shape_cast %swap3A_104 : vector<1x256x2048xf32> to vector<256x2048xf32>
    %swap3A_106 = vector.shape_cast %add3A_100 : vector<256x2048xf32> to vector<1x256x2048xf32>
    tpu.vector_store %arg3[%swap3A_101, %swap3A_102, %swap3A_103], %swap3A_106 {strides = array<i32>} : memref<5x1024x2048xf32, #tpu.memory_space<vmem>>, vector<1x256x2048xf32>,
    %dma_start3A_107 = arith.constant 1 : i32
    %dma_start3A_108 = arith.constant 1 : i32
    %dma_start3A_109 = tpu.memref_slice %arg5[%dma_start3A_108] : memref<5x!tpu.dma_semaphore, #tpu.memory_space<semaphore_mem>> -> memref<1x!tpu.dma_semaphore, #tpu.memory_space<semaphore_mem>>
    %dma_start3A_110 = tpu.memref_squeeze %dma_start3A_109 : memref<1x!tpu.dma_semaphore, #tpu.memory_space<semaphore_mem>> -> memref<!tpu.dma_semaphore, #tpu.memory_space<semaphore_mem>>
    %dma_start3A_111 = arith.constant 256 : i32
    %dma_start3A_112 = arith.constant 0 : i32
    %dma_start3A_113 = tpu.memref_slice %arg2[%dma_start3A_111, %dma_start3A_112] : memref<16384x2048xf32, #tpu.memory_space<hbm>> -> memref<256x2048xf32, #tpu.memory_space<hbm>>
    %dma_start3A_114 = arith.constant 0 : i32
    %dma_start3A_115 = arith.constant 0 : i32
    %dma_start3A_116 = tpu.memref_slice %arg3[%dma_start3A_107, %dma_start3A_114, %dma_start3A_115] : memref<5x1024x2048xf32, #tpu.memory_space<vmem>> -> memref<1x256x2048xf32, #tpu.memory_space<vmem>>
    %dma_start3A_117 = tpu.memref_squeeze %dma_start3A_116 : memref<1x256x2048xf32, #tpu.memory_space<vmem>> -> memref<256x2048xf32, #tpu.memory_space<vmem>>
    tpu.enqueue_dma source(%dma_start3A_117 : memref<256x2048xf32, #tpu.memory_space<vmem>>) target(%dma_start3A_113 : memref<256x2048xf32, #tpu.memory_space<hbm>>) target_semaphore(%dma_start3A_110 : memref<!tpu.dma_semaphore, #tpu.memory_space<semaphore_mem>>)
    %dma_start3A_118 = arith.constant 4 : i32
    %dma_start3A_119 = arith.constant 4 : i32
    %dma_start3A_120 = tpu.memref_slice %arg4[%dma_start3A_119] : memref<5x!tpu.dma_semaphore, #tpu.memory_space<semaphore_mem>> -> memref<1x!tpu.dma_semaphore, #tpu.memory_space<semaphore_mem>>
    %dma_start3A_121 = tpu.memref_squeeze %dma_start3A_120 : memref<1x!tpu.dma_semaphore, #tpu.memory_space<semaphore_mem>> -> memref<!tpu.dma_semaphore, #tpu.memory_space<semaphore_mem>>
    %dma_start3A_122 = arith.constant 0 : i32
    %dma_start3A_123 = arith.constant 0 : i32
    %dma_start3A_124 = tpu.memref_slice %arg3[%dma_start3A_118, %dma_start3A_122, %dma_start3A_123] : memref<5x1024x2048xf32, #tpu.memory_space<vmem>> -> memref<1x1024x2048xf32, #tpu.memory_space<vmem>>
    %dma_start3A_125 = tpu.memref_squeeze %dma_start3A_124 : memref<1x1024x2048xf32, #tpu.memory_space<vmem>> -> memref<1024x2048xf32, #tpu.memory_space<vmem>>
    %dma_start3A_126 = arith.constant 2048 : i32
    %dma_start3A_127 = arith.constant 0 : i32
    %dma_start3A_128 = tpu.memref_slice %arg0[%dma_start3A_126, %dma_start3A_127] : memref<16384x2048xf32, #tpu.memory_space<hbm>> -> memref<1024x2048xf32, #tpu.memory_space<hbm>>
    tpu.enqueue_dma source(%dma_start3A_128 : memref<1024x2048xf32, #tpu.memory_space<hbm>>) target(%dma_start3A_125 : memref<1024x2048xf32, #tpu.memory_space<vmem>>) target_semaphore(%dma_start3A_121 : memref<!tpu.dma_semaphore, #tpu.memory_space<semaphore_mem>>)
    %dma_wait3A_129 = arith.constant 2 : i32
    %dma_wait3A_130 = arith.constant 2 : i32
    %dma_wait3A_131 = tpu.memref_slice %arg4[%dma_wait3A_130] : memref<5x!tpu.dma_semaphore, #tpu.memory_space<semaphore_mem>> -> memref<1x!tpu.dma_semaphore, #tpu.memory_space<semaphore_mem>>
    %dma_wait3A_132 = tpu.memref_squeeze %dma_wait3A_131 : memref<1x!tpu.dma_semaphore, #tpu.memory_space<semaphore_mem>> -> memref<!tpu.dma_semaphore, #tpu.memory_space<semaphore_mem>>
    %dma_wait3A_133 = arith.constant 0 : i32
    %dma_wait3A_134 = arith.constant 0 : i32
    %dma_wait3A_135 = tpu.memref_slice %arg3[%dma_wait3A_129, %dma_wait3A_133, %dma_wait3A_134] : memref<5x1024x2048xf32, #tpu.memory_space<vmem>> -> memref<1x512x2048xf32, #tpu.memory_space<vmem>>
    %dma_wait3A_136 = tpu.memref_squeeze %dma_wait3A_135 : memref<1x512x2048xf32, #tpu.memory_space<vmem>> -> memref<512x2048xf32, #tpu.memory_space<vmem>>
    %dma_wait3A_137 = arith.constant 512 : i32
    %dma_wait3A_138 = arith.constant 0 : i32
    %dma_wait3A_139 = tpu.memref_slice %arg0[%dma_wait3A_137, %dma_wait3A_138] : memref<16384x2048xf32, #tpu.memory_space<hbm>> -> memref<512x2048xf32, #tpu.memory_space<hbm>>
    tpu.wait_dma2 semaphore(%dma_wait3A_132 : memref<!tpu.dma_semaphore, #tpu.memory_space<semaphore_mem>>) src(%dma_wait3A_139 : memref<512x2048xf32, #tpu.memory_space<hbm>>) dst(%dma_wait3A_136 : memref<512x2048xf32, #tpu.memory_space<vmem>>)
    %get3A_140 = arith.constant 2 : index
    %get3A_141 = arith.constant 0 : index
    %get3A_142 = arith.constant 0 : index
    %get3A_143 = vector.load %arg3[%get3A_140, %get3A_141, %get3A_142] : memref<5x1024x2048xf32, #tpu.memory_space<vmem>>, vector<1x512x2048xf32>
    %get3A_144 = vector.shape_cast %get3A_143 : vector<1x512x2048xf32> to vector<512x2048xf32>
    %get3A_145 = arith.constant 0 : index
    %get3A_146 = arith.constant 0 : index
    %get3A_147 = vector.load %arg1[%get3A_145, %get3A_146] : memref<8x2048xf32, #tpu.memory_space<vmem>>, vector<1x2048xf32>
    %get3A_148 = vector.shape_cast %get3A_147 : vector<1x2048xf32> to vector<2048xf32>
    %broadcast_in_dim3A_149 = vector.shape_cast %get3A_148 : vector<2048xf32> to vector<1x2048xf32>
    %add3A_150 = vector.broadcast %broadcast_in_dim3A_149 : vector<1x2048xf32> to vector<512x2048xf32>
    %add3A_151 = arith.addf %get3A_144, %add3A_150 : vector<512x2048xf32>
    %swap3A_152 = arith.constant 2 : index
    %swap3A_153 = arith.constant 0 : index
    %swap3A_154 = arith.constant 0 : index
    %swap3A_155 = vector.load %arg3[%swap3A_152, %swap3A_153, %swap3A_154] : memref<5x1024x2048xf32, #tpu.memory_space<vmem>>, vector<1x512x2048xf32>
    %swap3A_156 = vector.shape_cast %swap3A_155 : vector<1x512x2048xf32> to vector<512x2048xf32>
    %swap3A_157 = vector.shape_cast %add3A_151 : vector<512x2048xf32> to vector<1x512x2048xf32>
    tpu.vector_store %arg3[%swap3A_152, %swap3A_153, %swap3A_154], %swap3A_157 {strides = array<i32>} : memref<5x1024x2048xf32, #tpu.memory_space<vmem>>, vector<1x512x2048xf32>,
    %dma_start3A_158 = arith.constant 2 : i32
    %dma_start3A_159 = arith.constant 2 : i32
    %dma_start3A_160 = tpu.memref_slice %arg5[%dma_start3A_159] : memref<5x!tpu.dma_semaphore, #tpu.memory_space<semaphore_mem>> -> memref<1x!tpu.dma_semaphore, #tpu.memory_space<semaphore_mem>>
    %dma_start3A_161 = tpu.memref_squeeze %dma_start3A_160 : memref<1x!tpu.dma_semaphore, #tpu.memory_space<semaphore_mem>> -> memref<!tpu.dma_semaphore, #tpu.memory_space<semaphore_mem>>
    %dma_start3A_162 = arith.constant 512 : i32
    %dma_start3A_163 = arith.constant 0 : i32
    %dma_start3A_164 = tpu.memref_slice %arg2[%dma_start3A_162, %dma_start3A_163] : memref<16384x2048xf32, #tpu.memory_space<hbm>> -> memref<512x2048xf32, #tpu.memory_space<hbm>>
    %dma_start3A_165 = arith.constant 0 : i32
    %dma_start3A_166 = arith.constant 0 : i32
    %dma_start3A_167 = tpu.memref_slice %arg3[%dma_start3A_158, %dma_start3A_165, %dma_start3A_166] : memref<5x1024x2048xf32, #tpu.memory_space<vmem>> -> memref<1x512x2048xf32, #tpu.memory_space<vmem>>
    %dma_start3A_168 = tpu.memref_squeeze %dma_start3A_167 : memref<1x512x2048xf32, #tpu.memory_space<vmem>> -> memref<512x2048xf32, #tpu.memory_space<vmem>>
    tpu.enqueue_dma source(%dma_start3A_168 : memref<512x2048xf32, #tpu.memory_space<vmem>>) target(%dma_start3A_164 : memref<512x2048xf32, #tpu.memory_space<hbm>>) target_semaphore(%dma_start3A_161 : memref<!tpu.dma_semaphore, #tpu.memory_space<semaphore_mem>>)
    %dma_wait3A_169 = arith.constant 0 : i32
    %dma_wait3A_170 = arith.constant 0 : i32
    %dma_wait3A_171 = tpu.memref_slice %arg5[%dma_wait3A_170] : memref<5x!tpu.dma_semaphore, #tpu.memory_space<semaphore_mem>> -> memref<1x!tpu.dma_semaphore, #tpu.memory_space<semaphore_mem>>
    %dma_wait3A_172 = tpu.memref_squeeze %dma_wait3A_171 : memref<1x!tpu.dma_semaphore, #tpu.memory_space<semaphore_mem>> -> memref<!tpu.dma_semaphore, #tpu.memory_space<semaphore_mem>>
    %dma_wait3A_173 = arith.constant 0 : i32
    %dma_wait3A_174 = arith.constant 0 : i32
    %dma_wait3A_175 = tpu.memref_slice %arg2[%dma_wait3A_173, %dma_wait3A_174] : memref<16384x2048xf32, #tpu.memory_space<hbm>> -> memref<256x2048xf32, #tpu.memory_space<hbm>>
    %dma_wait3A_176 = arith.constant 0 : i32
    %dma_wait3A_177 = arith.constant 0 : i32
    %dma_wait3A_178 = tpu.memref_slice %arg3[%dma_wait3A_169, %dma_wait3A_176, %dma_wait3A_177] : memref<5x1024x2048xf32, #tpu.memory_space<vmem>> -> memref<1x256x2048xf32, #tpu.memory_space<vmem>>
    %dma_wait3A_179 = tpu.memref_squeeze %dma_wait3A_178 : memref<1x256x2048xf32, #tpu.memory_space<vmem>> -> memref<256x2048xf32, #tpu.memory_space<vmem>>
    tpu.wait_dma2 semaphore(%dma_wait3A_172 : memref<!tpu.dma_semaphore, #tpu.memory_space<semaphore_mem>>) src(%dma_wait3A_179 : memref<256x2048xf32, #tpu.memory_space<vmem>>) dst(%dma_wait3A_175 : memref<256x2048xf32, #tpu.memory_space<hbm>>)
    %dma_start3A_180 = arith.constant 0 : i32
    %dma_start3A_181 = arith.constant 0 : i32
    %dma_start3A_182 = tpu.memref_slice %arg4[%dma_start3A_181] : memref<5x!tpu.dma_semaphore, #tpu.memory_space<semaphore_mem>> -> memref<1x!tpu.dma_semaphore, #tpu.memory_space<semaphore_mem>>
    %dma_start3A_183 = tpu.memref_squeeze %dma_start3A_182 : memref<1x!tpu.dma_semaphore, #tpu.memory_space<semaphore_mem>> -> memref<!tpu.dma_semaphore, #tpu.memory_space<semaphore_mem>>
    %dma_start3A_184 = arith.constant 0 : i32
    %dma_start3A_185 = arith.constant 0 : i32
    %dma_start3A_186 = tpu.memref_slice %arg3[%dma_start3A_180, %dma_start3A_184, %dma_start3A_185] : memref<5x1024x2048xf32, #tpu.memory_space<vmem>> -> memref<1x1024x2048xf32, #tpu.memory_space<vmem>>
    %dma_start3A_187 = tpu.memref_squeeze %dma_start3A_186 : memref<1x1024x2048xf32, #tpu.memory_space<vmem>> -> memref<1024x2048xf32, #tpu.memory_space<vmem>>
    %dma_start3A_188 = arith.constant 3072 : i32
    %dma_start3A_189 = arith.constant 0 : i32
    %dma_start3A_190 = tpu.memref_slice %arg0[%dma_start3A_188, %dma_start3A_189] : memref<16384x2048xf32, #tpu.memory_space<hbm>> -> memref<1024x2048xf32, #tpu.memory_space<hbm>>
    tpu.enqueue_dma source(%dma_start3A_190 : memref<1024x2048xf32, #tpu.memory_space<hbm>>) target(%dma_start3A_187 : memref<1024x2048xf32, #tpu.memory_space<vmem>>) target_semaphore(%dma_start3A_183 : memref<!tpu.dma_semaphore, #tpu.memory_space<semaphore_mem>>)
    %dma_wait3A_191 = arith.constant 3 : i32
    %dma_wait3A_192 = arith.constant 3 : i32
    %dma_wait3A_193 = tpu.memref_slice %arg4[%dma_wait3A_192] : memref<5x!tpu.dma_semaphore, #tpu.memory_space<semaphore_mem>> -> memref<1x!tpu.dma_semaphore, #tpu.memory_space<semaphore_mem>>
    %dma_wait3A_194 = tpu.memref_squeeze %dma_wait3A_193 : memref<1x!tpu.dma_semaphore, #tpu.memory_space<semaphore_mem>> -> memref<!tpu.dma_semaphore, #tpu.memory_space<semaphore_mem>>
    %dma_wait3A_195 = arith.constant 0 : i32
    %dma_wait3A_196 = arith.constant 0 : i32
    %dma_wait3A_197 = tpu.memref_slice %arg3[%dma_wait3A_191, %dma_wait3A_195, %dma_wait3A_196] : memref<5x1024x2048xf32, #tpu.memory_space<vmem>> -> memref<1x1024x2048xf32, #tpu.memory_space<vmem>>
    %dma_wait3A_198 = tpu.memref_squeeze %dma_wait3A_197 : memref<1x1024x2048xf32, #tpu.memory_space<vmem>> -> memref<1024x2048xf32, #tpu.memory_space<vmem>>
    %dma_wait3A_199 = arith.constant 1024 : i32
    %dma_wait3A_200 = arith.constant 0 : i32
    %dma_wait3A_201 = tpu.memref_slice %arg0[%dma_wait3A_199, %dma_wait3A_200] : memref<16384x2048xf32, #tpu.memory_space<hbm>> -> memref<1024x2048xf32, #tpu.memory_space<hbm>>
    tpu.wait_dma2 semaphore(%dma_wait3A_194 : memref<!tpu.dma_semaphore, #tpu.memory_space<semaphore_mem>>) src(%dma_wait3A_201 : memref<1024x2048xf32, #tpu.memory_space<hbm>>) dst(%dma_wait3A_198 : memref<1024x2048xf32, #tpu.memory_space<vmem>>)
    %get3A_202 = arith.constant 3 : index
    %get3A_203 = arith.constant 0 : index
    %get3A_204 = arith.constant 0 : index
    %get3A_205 = vector.load %arg3[%get3A_202, %get3A_203, %get3A_204] : memref<5x1024x2048xf32, #tpu.memory_space<vmem>>, vector<1x1024x2048xf32>
    %get3A_206 = vector.shape_cast %get3A_205 : vector<1x1024x2048xf32> to vector<1024x2048xf32>
    %get3A_207 = arith.constant 0 : index
    %get3A_208 = arith.constant 0 : index
    %get3A_209 = vector.load %arg1[%get3A_207, %get3A_208] : memref<8x2048xf32, #tpu.memory_space<vmem>>, vector<1x2048xf32>
    %get3A_210 = vector.shape_cast %get3A_209 : vector<1x2048xf32> to vector<2048xf32>
    %broadcast_in_dim3A_211 = vector.shape_cast %get3A_210 : vector<2048xf32> to vector<1x2048xf32>
    %add3A_212 = vector.broadcast %broadcast_in_dim3A_211 : vector<1x2048xf32> to vector<1024x2048xf32>
    %add3A_213 = arith.addf %get3A_206, %add3A_212 : vector<1024x2048xf32>
    %swap3A_214 = arith.constant 3 : index
    %swap3A_215 = arith.constant 0 : index
    %swap3A_216 = arith.constant 0 : index
    %swap3A_217 = vector.load %arg3[%swap3A_214, %swap3A_215, %swap3A_216] : memref<5x1024x2048xf32, #tpu.memory_space<vmem>>, vector<1x1024x2048xf32>
    %swap3A_218 = vector.shape_cast %swap3A_217 : vector<1x1024x2048xf32> to vector<1024x2048xf32>
    %swap3A_219 = vector.shape_cast %add3A_213 : vector<1024x2048xf32> to vector<1x1024x2048xf32>
    tpu.vector_store %arg3[%swap3A_214, %swap3A_215, %swap3A_216], %swap3A_219 {strides = array<i32>} : memref<5x1024x2048xf32, #tpu.memory_space<vmem>>, vector<1x1024x2048xf32>,
    %dma_start3A_220 = arith.constant 3 : i32
    %dma_start3A_221 = arith.constant 3 : i32
    %dma_start3A_222 = tpu.memref_slice %arg5[%dma_start3A_221] : memref<5x!tpu.dma_semaphore, #tpu.memory_space<semaphore_mem>> -> memref<1x!tpu.dma_semaphore, #tpu.memory_space<semaphore_mem>>
    %dma_start3A_223 = tpu.memref_squeeze %dma_start3A_222 : memref<1x!tpu.dma_semaphore, #tpu.memory_space<semaphore_mem>> -> memref<!tpu.dma_semaphore, #tpu.memory_space<semaphore_mem>>
    %dma_start3A_224 = arith.constant 1024 : i32
    %dma_start3A_225 = arith.constant 0 : i32
    %dma_start3A_226 = tpu.memref_slice %arg2[%dma_start3A_224, %dma_start3A_225] : memref<16384x2048xf32, #tpu.memory_space<hbm>> -> memref<1024x2048xf32, #tpu.memory_space<hbm>>
    %dma_start3A_227 = arith.constant 0 : i32
    %dma_start3A_228 = arith.constant 0 : i32
    %dma_start3A_229 = tpu.memref_slice %arg3[%dma_start3A_220, %dma_start3A_227, %dma_start3A_228] : memref<5x1024x2048xf32, #tpu.memory_space<vmem>> -> memref<1x1024x2048xf32, #tpu.memory_space<vmem>>
    %dma_start3A_230 = tpu.memref_squeeze %dma_start3A_229 : memref<1x1024x2048xf32, #tpu.memory_space<vmem>> -> memref<1024x2048xf32, #tpu.memory_space<vmem>>
    tpu.enqueue_dma source(%dma_start3A_230 : memref<1024x2048xf32, #tpu.memory_space<vmem>>) target(%dma_start3A_226 : memref<1024x2048xf32, #tpu.memory_space<hbm>>) target_semaphore(%dma_start3A_223 : memref<!tpu.dma_semaphore, #tpu.memory_space<semaphore_mem>>)
    %dma_wait3A_231 = arith.constant 1 : i32
    %dma_wait3A_232 = arith.constant 1 : i32
    %dma_wait3A_233 = tpu.memref_slice %arg5[%dma_wait3A_232] : memref<5x!tpu.dma_semaphore, #tpu.memory_space<semaphore_mem>> -> memref<1x!tpu.dma_semaphore, #tpu.memory_space<semaphore_mem>>
    %dma_wait3A_234 = tpu.memref_squeeze %dma_wait3A_233 : memref<1x!tpu.dma_semaphore, #tpu.memory_space<semaphore_mem>> -> memref<!tpu.dma_semaphore, #tpu.memory_space<semaphore_mem>>
    %dma_wait3A_235 = arith.constant 256 : i32
    %dma_wait3A_236 = arith.constant 0 : i32
    %dma_wait3A_237 = tpu.memref_slice %arg2[%dma_wait3A_235, %dma_wait3A_236] : memref<16384x2048xf32, #tpu.memory_space<hbm>> -> memref<256x2048xf32, #tpu.memory_space<hbm>>
    %dma_wait3A_238 = arith.constant 0 : i32
    %dma_wait3A_239 = arith.constant 0 : i32
    %dma_wait3A_240 = tpu.memref_slice %arg3[%dma_wait3A_231, %dma_wait3A_238, %dma_wait3A_239] : memref<5x1024x2048xf32, #tpu.memory_space<vmem>> -> memref<1x256x2048xf32, #tpu.memory_space<vmem>>
    %dma_wait3A_241 = tpu.memref_squeeze %dma_wait3A_240 : memref<1x256x2048xf32, #tpu.memory_space<vmem>> -> memref<256x2048xf32, #tpu.memory_space<vmem>>
    tpu.wait_dma2 semaphore(%dma_wait3A_234 : memref<!tpu.dma_semaphore, #tpu.memory_space<semaphore_mem>>) src(%dma_wait3A_241 : memref<256x2048xf32, #tpu.memory_space<vmem>>) dst(%dma_wait3A_237 : memref<256x2048xf32, #tpu.memory_space<hbm>>)
    %dma_start3A_242 = arith.constant 1 : i32
    %dma_start3A_243 = arith.constant 1 : i32
    %dma_start3A_244 = tpu.memref_slice %arg4[%dma_start3A_243] : memref<5x!tpu.dma_semaphore, #tpu.memory_space<semaphore_mem>> -> memref<1x!tpu.dma_semaphore, #tpu.memory_space<semaphore_mem>>
    %dma_start3A_245 = tpu.memref_squeeze %dma_start3A_244 : memref<1x!tpu.dma_semaphore, #tpu.memory_space<semaphore_mem>> -> memref<!tpu.dma_semaphore, #tpu.memory_space<semaphore_mem>>
    %dma_start3A_246 = arith.constant 0 : i32
    %dma_start3A_247 = arith.constant 0 : i32
    %dma_start3A_248 = tpu.memref_slice %arg3[%dma_start3A_242, %dma_start3A_246, %dma_start3A_247] : memref<5x1024x2048xf32, #tpu.memory_space<vmem>> -> memref<1x1024x2048xf32, #tpu.memory_space<vmem>>
    %dma_start3A_249 = tpu.memref_squeeze %dma_start3A_248 : memref<1x1024x2048xf32, #tpu.memory_space<vmem>> -> memref<1024x2048xf32, #tpu.memory_space<vmem>>
    %dma_start3A_250 = arith.constant 4096 : i32
    %dma_start3A_251 = arith.constant 0 : i32
    %dma_start3A_252 = tpu.memref_slice %arg0[%dma_start3A_250, %dma_start3A_251] : memref<16384x2048xf32, #tpu.memory_space<hbm>> -> memref<1024x2048xf32, #tpu.memory_space<hbm>>
    tpu.enqueue_dma source(%dma_start3A_252 : memref<1024x2048xf32, #tpu.memory_space<hbm>>) target(%dma_start3A_249 : memref<1024x2048xf32, #tpu.memory_space<vmem>>) target_semaphore(%dma_start3A_245 : memref<!tpu.dma_semaphore, #tpu.memory_space<semaphore_mem>>)
    %dma_wait3A_253 = arith.constant 4 : i32
    %dma_wait3A_254 = arith.constant 4 : i32
    %dma_wait3A_255 = tpu.memref_slice %arg4[%dma_wait3A_254] : memref<5x!tpu.dma_semaphore, #tpu.memory_space<semaphore_mem>> -> memref<1x!tpu.dma_semaphore, #tpu.memory_space<semaphore_mem>>
    %dma_wait3A_256 = tpu.memref_squeeze %dma_wait3A_255 : memref<1x!tpu.dma_semaphore, #tpu.memory_space<semaphore_mem>> -> memref<!tpu.dma_semaphore, #tpu.memory_space<semaphore_mem>>
    %dma_wait3A_257 = arith.constant 0 : i32
    %dma_wait3A_258 = arith.constant 0 : i32
    %dma_wait3A_259 = tpu.memref_slice %arg3[%dma_wait3A_253, %dma_wait3A_257, %dma_wait3A_258] : memref<5x1024x2048xf32, #tpu.memory_space<vmem>> -> memref<1x1024x2048xf32, #tpu.memory_space<vmem>>
    %dma_wait3A_260 = tpu.memref_squeeze %dma_wait3A_259 : memref<1x1024x2048xf32, #tpu.memory_space<vmem>> -> memref<1024x2048xf32, #tpu.memory_space<vmem>>
    %dma_wait3A_261 = arith.constant 2048 : i32
    %dma_wait3A_262 = arith.constant 0 : i32
    %dma_wait3A_263 = tpu.memref_slice %arg0[%dma_wait3A_261, %dma_wait3A_262] : memref<16384x2048xf32, #tpu.memory_space<hbm>> -> memref<1024x2048xf32, #tpu.memory_space<hbm>>
    tpu.wait_dma2 semaphore(%dma_wait3A_256 : memref<!tpu.dma_semaphore, #tpu.memory_space<semaphore_mem>>) src(%dma_wait3A_263 : memref<1024x2048xf32, #tpu.memory_space<hbm>>) dst(%dma_wait3A_260 : memref<1024x2048xf32, #tpu.memory_space<vmem>>)
    %get3A_264 = arith.constant 4 : index
    %get3A_265 = arith.constant 0 : index
    %get3A_266 = arith.constant 0 : index
    %get3A_267 = vector.load %arg3[%get3A_264, %get3A_265, %get3A_266] : memref<5x1024x2048xf32, #tpu.memory_space<vmem>>, vector<1x1024x2048xf32>
    %get3A_268 = vector.shape_cast %get3A_267 : vector<1x1024x2048xf32> to vector<1024x2048xf32>
    %get3A_269 = arith.constant 0 : index
    %get3A_270 = arith.constant 0 : index
    %get3A_271 = vector.load %arg1[%get3A_269, %get3A_270] : memref<8x2048xf32, #tpu.memory_space<vmem>>, vector<1x2048xf32>
    %get3A_272 = vector.shape_cast %get3A_271 : vector<1x2048xf32> to vector<2048xf32>
    %broadcast_in_dim3A_273 = vector.shape_cast %get3A_272 : vector<2048xf32> to vector<1x2048xf32>
    %add3A_274 = vector.broadcast %broadcast_in_dim3A_273 : vector<1x2048xf32> to vector<1024x2048xf32>
    %add3A_275 = arith.addf %get3A_268, %add3A_274 : vector<1024x2048xf32>
    %swap3A_276 = arith.constant 4 : index
    %swap3A_277 = arith.constant 0 : index
    %swap3A_278 = arith.constant 0 : index
    %swap3A_279 = vector.load %arg3[%swap3A_276, %swap3A_277, %swap3A_278] : memref<5x1024x2048xf32, #tpu.memory_space<vmem>>, vector<1x1024x2048xf32>
    %swap3A_280 = vector.shape_cast %swap3A_279 : vector<1x1024x2048xf32> to vector<1024x2048xf32>
    %swap3A_281 = vector.shape_cast %add3A_275 : vector<1024x2048xf32> to vector<1x1024x2048xf32>
    tpu.vector_store %arg3[%swap3A_276, %swap3A_277, %swap3A_278], %swap3A_281 {strides = array<i32>} : memref<5x1024x2048xf32, #tpu.memory_space<vmem>>, vector<1x1024x2048xf32>,
    %dma_start3A_282 = arith.constant 4 : i32
    %dma_start3A_283 = arith.constant 4 : i32
    %dma_start3A_284 = tpu.memref_slice %arg5[%dma_start3A_283] : memref<5x!tpu.dma_semaphore, #tpu.memory_space<semaphore_mem>> -> memref<1x!tpu.dma_semaphore, #tpu.memory_space<semaphore_mem>>
    %dma_start3A_285 = tpu.memref_squeeze %dma_start3A_284 : memref<1x!tpu.dma_semaphore, #tpu.memory_space<semaphore_mem>> -> memref<!tpu.dma_semaphore, #tpu.memory_space<semaphore_mem>>
    %dma_start3A_286 = arith.constant 2048 : i32
    %dma_start3A_287 = arith.constant 0 : i32
    %dma_start3A_288 = tpu.memref_slice %arg2[%dma_start3A_286, %dma_start3A_287] : memref<16384x2048xf32, #tpu.memory_space<hbm>> -> memref<1024x2048xf32, #tpu.memory_space<hbm>>
    %dma_start3A_289 = arith.constant 0 : i32
    %dma_start3A_290 = arith.constant 0 : i32
    %dma_start3A_291 = tpu.memref_slice %arg3[%dma_start3A_282, %dma_start3A_289, %dma_start3A_290] : memref<5x1024x2048xf32, #tpu.memory_space<vmem>> -> memref<1x1024x2048xf32, #tpu.memory_space<vmem>>
    %dma_start3A_292 = tpu.memref_squeeze %dma_start3A_291 : memref<1x1024x2048xf32, #tpu.memory_space<vmem>> -> memref<1024x2048xf32, #tpu.memory_space<vmem>>
    tpu.enqueue_dma source(%dma_start3A_292 : memref<1024x2048xf32, #tpu.memory_space<vmem>>) target(%dma_start3A_288 : memref<1024x2048xf32, #tpu.memory_space<hbm>>) target_semaphore(%dma_start3A_285 : memref<!tpu.dma_semaphore, #tpu.memory_space<semaphore_mem>>)
    %dma_wait3A_293 = arith.constant 2 : i32
    %dma_wait3A_294 = arith.constant 2 : i32
    %dma_wait3A_295 = tpu.memref_slice %arg5[%dma_wait3A_294] : memref<5x!tpu.dma_semaphore, #tpu.memory_space<semaphore_mem>> -> memref<1x!tpu.dma_semaphore, #tpu.memory_space<semaphore_mem>>
    %dma_wait3A_296 = tpu.memref_squeeze %dma_wait3A_295 : memref<1x!tpu.dma_semaphore, #tpu.memory_space<semaphore_mem>> -> memref<!tpu.dma_semaphore, #tpu.memory_space<semaphore_mem>>
    %dma_wait3A_297 = arith.constant 512 : i32
    %dma_wait3A_298 = arith.constant 0 : i32
    %dma_wait3A_299 = tpu.memref_slice %arg2[%dma_wait3A_297, %dma_wait3A_298] : memref<16384x2048xf32, #tpu.memory_space<hbm>> -> memref<512x2048xf32, #tpu.memory_space<hbm>>
    %dma_wait3A_300 = arith.constant 0 : i32
    %dma_wait3A_301 = arith.constant 0 : i32
    %dma_wait3A_302 = tpu.memref_slice %arg3[%dma_wait3A_293, %dma_wait3A_300, %dma_wait3A_301] : memref<5x1024x2048xf32, #tpu.memory_space<vmem>> -> memref<1x512x2048xf32, #tpu.memory_space<vmem>>
    %dma_wait3A_303 = tpu.memref_squeeze %dma_wait3A_302 : memref<1x512x2048xf32, #tpu.memory_space<vmem>> -> memref<512x2048xf32, #tpu.memory_space<vmem>>
    tpu.wait_dma2 semaphore(%dma_wait3A_296 : memref<!tpu.dma_semaphore, #tpu.memory_space<semaphore_mem>>) src(%dma_wait3A_303 : memref<512x2048xf32, #tpu.memory_space<vmem>>) dst(%dma_wait3A_299 : memref<512x2048xf32, #tpu.memory_space<hbm>>)
    %dma_start3A_304 = arith.constant 2 : i32
    %dma_start3A_305 = arith.constant 2 : i32
    %dma_start3A_306 = tpu.memref_slice %arg4[%dma_start3A_305] : memref<5x!tpu.dma_semaphore, #tpu.memory_space<semaphore_mem>> -> memref<1x!tpu.dma_semaphore, #tpu.memory_space<semaphore_mem>>
    %dma_start3A_307 = tpu.memref_squeeze %dma_start3A_306 : memref<1x!tpu.dma_semaphore, #tpu.memory_space<semaphore_mem>> -> memref<!tpu.dma_semaphore, #tpu.memory_space<semaphore_mem>>
    %dma_start3A_308 = arith.constant 0 : i32
    %dma_start3A_309 = arith.constant 0 : i32
    %dma_start3A_310 = tpu.memref_slice %arg3[%dma_start3A_304, %dma_start3A_308, %dma_start3A_309] : memref<5x1024x2048xf32, #tpu.memory_space<vmem>> -> memref<1x1024x2048xf32, #tpu.memory_space<vmem>>
    %dma_start3A_311 = tpu.memref_squeeze %dma_start3A_310 : memref<1x1024x2048xf32, #tpu.memory_space<vmem>> -> memref<1024x2048xf32, #tpu.memory_space<vmem>>
    %dma_start3A_312 = arith.constant 5120 : i32
    %dma_start3A_313 = arith.constant 0 : i32
    %dma_start3A_314 = tpu.memref_slice %arg0[%dma_start3A_312, %dma_start3A_313] : memref<16384x2048xf32, #tpu.memory_space<hbm>> -> memref<1024x2048xf32, #tpu.memory_space<hbm>>
    tpu.enqueue_dma source(%dma_start3A_314 : memref<1024x2048xf32, #tpu.memory_space<hbm>>) target(%dma_start3A_311 : memref<1024x2048xf32, #tpu.memory_space<vmem>>) target_semaphore(%dma_start3A_307 : memref<!tpu.dma_semaphore, #tpu.memory_space<semaphore_mem>>)
    %dma_wait3A_315 = arith.constant 0 : i32
    %dma_wait3A_316 = arith.constant 0 : i32
    %dma_wait3A_317 = tpu.memref_slice %arg4[%dma_wait3A_316] : memref<5x!tpu.dma_semaphore, #tpu.memory_space<semaphore_mem>> -> memref<1x!tpu.dma_semaphore, #tpu.memory_space<semaphore_mem>>
    %dma_wait3A_318 = tpu.memref_squeeze %dma_wait3A_317 : memref<1x!tpu.dma_semaphore, #tpu.memory_space<semaphore_mem>> -> memref<!tpu.dma_semaphore, #tpu.memory_space<semaphore_mem>>
    %dma_wait3A_319 = arith.constant 0 : i32
    %dma_wait3A_320 = arith.constant 0 : i32
    %dma_wait3A_321 = tpu.memref_slice %arg3[%dma_wait3A_315, %dma_wait3A_319, %dma_wait3A_320] : memref<5x1024x2048xf32, #tpu.memory_space<vmem>> -> memref<1x1024x2048xf32, #tpu.memory_space<vmem>>
    %dma_wait3A_322 = tpu.memref_squeeze %dma_wait3A_321 : memref<1x1024x2048xf32, #tpu.memory_space<vmem>> -> memref<1024x2048xf32, #tpu.memory_space<vmem>>
    %dma_wait3A_323 = arith.constant 3072 : i32
    %dma_wait3A_324 = arith.constant 0 : i32
    %dma_wait3A_325 = tpu.memref_slice %arg0[%dma_wait3A_323, %dma_wait3A_324] : memref<16384x2048xf32, #tpu.memory_space<hbm>> -> memref<1024x2048xf32, #tpu.memory_space<hbm>>
    tpu.wait_dma2 semaphore(%dma_wait3A_318 : memref<!tpu.dma_semaphore, #tpu.memory_space<semaphore_mem>>) src(%dma_wait3A_325 : memref<1024x2048xf32, #tpu.memory_space<hbm>>) dst(%dma_wait3A_322 : memref<1024x2048xf32, #tpu.memory_space<vmem>>)
    %get3A_326 = arith.constant 0 : index
    %get3A_327 = arith.constant 0 : index
    %get3A_328 = arith.constant 0 : index
    %get3A_329 = vector.load %arg3[%get3A_326, %get3A_327, %get3A_328] : memref<5x1024x2048xf32, #tpu.memory_space<vmem>>, vector<1x1024x2048xf32>
    %get3A_330 = vector.shape_cast %get3A_329 : vector<1x1024x2048xf32> to vector<1024x2048xf32>
    %get3A_331 = arith.constant 0 : index
    %get3A_332 = arith.constant 0 : index
    %get3A_333 = vector.load %arg1[%get3A_331, %get3A_332] : memref<8x2048xf32, #tpu.memory_space<vmem>>, vector<1x2048xf32>
    %get3A_334 = vector.shape_cast %get3A_333 : vector<1x2048xf32> to vector<2048xf32>
    %broadcast_in_dim3A_335 = vector.shape_cast %get3A_334 : vector<2048xf32> to vector<1x2048xf32>
    %add3A_336 = vector.broadcast %broadcast_in_dim3A_335 : vector<1x2048xf32> to vector<1024x2048xf32>
    %add3A_337 = arith.addf %get3A_330, %add3A_336 : vector<1024x2048xf32>
    %swap3A_338 = arith.constant 0 : index
    %swap3A_339 = arith.constant 0 : index
    %swap3A_340 = arith.constant 0 : index
    %swap3A_341 = vector.load %arg3[%swap3A_338, %swap3A_339, %swap3A_340] : memref<5x1024x2048xf32, #tpu.memory_space<vmem>>, vector<1x1024x2048xf32>
    %swap3A_342 = vector.shape_cast %swap3A_341 : vector<1x1024x2048xf32> to vector<1024x2048xf32>
    %swap3A_343 = vector.shape_cast %add3A_337 : vector<1024x2048xf32> to vector<1x1024x2048xf32>
    tpu.vector_store %arg3[%swap3A_338, %swap3A_339, %swap3A_340], %swap3A_343 {strides = array<i32>} : memref<5x1024x2048xf32, #tpu.memory_space<vmem>>, vector<1x1024x2048xf32>,
    %dma_start3A_344 = arith.constant 0 : i32
    %dma_start3A_345 = arith.constant 0 : i32
    %dma_start3A_346 = tpu.memref_slice %arg5[%dma_start3A_345] : memref<5x!tpu.dma_semaphore, #tpu.memory_space<semaphore_mem>> -> memref<1x!tpu.dma_semaphore, #tpu.memory_space<semaphore_mem>>
    %dma_start3A_347 = tpu.memref_squeeze %dma_start3A_346 : memref<1x!tpu.dma_semaphore, #tpu.memory_space<semaphore_mem>> -> memref<!tpu.dma_semaphore, #tpu.memory_space<semaphore_mem>>
    %dma_start3A_348 = arith.constant 3072 : i32
    %dma_start3A_349 = arith.constant 0 : i32
    %dma_start3A_350 = tpu.memref_slice %arg2[%dma_start3A_348, %dma_start3A_349] : memref<16384x2048xf32, #tpu.memory_space<hbm>> -> memref<1024x2048xf32, #tpu.memory_space<hbm>>
    %dma_start3A_351 = arith.constant 0 : i32
    %dma_start3A_352 = arith.constant 0 : i32
    %dma_start3A_353 = tpu.memref_slice %arg3[%dma_start3A_344, %dma_start3A_351, %dma_start3A_352] : memref<5x1024x2048xf32, #tpu.memory_space<vmem>> -> memref<1x1024x2048xf32, #tpu.memory_space<vmem>>
    %dma_start3A_354 = tpu.memref_squeeze %dma_start3A_353 : memref<1x1024x2048xf32, #tpu.memory_space<vmem>> -> memref<1024x2048xf32, #tpu.memory_space<vmem>>
    tpu.enqueue_dma source(%dma_start3A_354 : memref<1024x2048xf32, #tpu.memory_space<vmem>>) target(%dma_start3A_350 : memref<1024x2048xf32, #tpu.memory_space<hbm>>) target_semaphore(%dma_start3A_347 : memref<!tpu.dma_semaphore, #tpu.memory_space<semaphore_mem>>)
    %dma_wait3A_355 = arith.constant 3 : i32
    %dma_wait3A_356 = arith.constant 3 : i32
    %dma_wait3A_357 = tpu.memref_slice %arg5[%dma_wait3A_356] : memref<5x!tpu.dma_semaphore, #tpu.memory_space<semaphore_mem>> -> memref<1x!tpu.dma_semaphore, #tpu.memory_space<semaphore_mem>>
    %dma_wait3A_358 = tpu.memref_squeeze %dma_wait3A_357 : memref<1x!tpu.dma_semaphore, #tpu.memory_space<semaphore_mem>> -> memref<!tpu.dma_semaphore, #tpu.memory_space<semaphore_mem>>
    %dma_wait3A_359 = arith.constant 1024 : i32
    %dma_wait3A_360 = arith.constant 0 : i32
    %dma_wait3A_361 = tpu.memref_slice %arg2[%dma_wait3A_359, %dma_wait3A_360] : memref<16384x2048xf32, #tpu.memory_space<hbm>> -> memref<1024x2048xf32, #tpu.memory_space<hbm>>
    %dma_wait3A_362 = arith.constant 0 : i32
    %dma_wait3A_363 = arith.constant 0 : i32
    %dma_wait3A_364 = tpu.memref_slice %arg3[%dma_wait3A_355, %dma_wait3A_362, %dma_wait3A_363] : memref<5x1024x2048xf32, #tpu.memory_space<vmem>> -> memref<1x1024x2048xf32, #tpu.memory_space<vmem>>
    %dma_wait3A_365 = tpu.memref_squeeze %dma_wait3A_364 : memref<1x1024x2048xf32, #tpu.memory_space<vmem>> -> memref<1024x2048xf32, #tpu.memory_space<vmem>>
    tpu.wait_dma2 semaphore(%dma_wait3A_358 : memref<!tpu.dma_semaphore, #tpu.memory_space<semaphore_mem>>) src(%dma_wait3A_365 : memref<1024x2048xf32, #tpu.memory_space<vmem>>) dst(%dma_wait3A_361 : memref<1024x2048xf32, #tpu.memory_space<hbm>>)
    %dma_start3A_366 = arith.constant 3 : i32
    %dma_start3A_367 = arith.constant 3 : i32
    %dma_start3A_368 = tpu.memref_slice %arg4[%dma_start3A_367] : memref<5x!tpu.dma_semaphore, #tpu.memory_space<semaphore_mem>> -> memref<1x!tpu.dma_semaphore, #tpu.memory_space<semaphore_mem>>
    %dma_start3A_369 = tpu.memref_squeeze %dma_start3A_368 : memref<1x!tpu.dma_semaphore, #tpu.memory_space<semaphore_mem>> -> memref<!tpu.dma_semaphore, #tpu.memory_space<semaphore_mem>>
    %dma_start3A_370 = arith.constant 0 : i32
    %dma_start3A_371 = arith.constant 0 : i32
    %dma_start3A_372 = tpu.memref_slice %arg3[%dma_start3A_366, %dma_start3A_370, %dma_start3A_371] : memref<5x1024x2048xf32, #tpu.memory_space<vmem>> -> memref<1x1024x2048xf32, #tpu.memory_space<vmem>>
    %dma_start3A_373 = tpu.memref_squeeze %dma_start3A_372 : memref<1x1024x2048xf32, #tpu.memory_space<vmem>> -> memref<1024x2048xf32, #tpu.memory_space<vmem>>
    %dma_start3A_374 = arith.constant 6144 : i32
    %dma_start3A_375 = arith.constant 0 : i32
    %dma_start3A_376 = tpu.memref_slice %arg0[%dma_start3A_374, %dma_start3A_375] : memref<16384x2048xf32, #tpu.memory_space<hbm>> -> memref<1024x2048xf32, #tpu.memory_space<hbm>>
    tpu.enqueue_dma source(%dma_start3A_376 : memref<1024x2048xf32, #tpu.memory_space<hbm>>) target(%dma_start3A_373 : memref<1024x2048xf32, #tpu.memory_space<vmem>>) target_semaphore(%dma_start3A_369 : memref<!tpu.dma_semaphore, #tpu.memory_space<semaphore_mem>>)
    %dma_wait3A_377 = arith.constant 1 : i32
    %dma_wait3A_378 = arith.constant 1 : i32
    %dma_wait3A_379 = tpu.memref_slice %arg4[%dma_wait3A_378] : memref<5x!tpu.dma_semaphore, #tpu.memory_space<semaphore_mem>> -> memref<1x!tpu.dma_semaphore, #tpu.memory_space<semaphore_mem>>
    %dma_wait3A_380 = tpu.memref_squeeze %dma_wait3A_379 : memref<1x!tpu.dma_semaphore, #tpu.memory_space<semaphore_mem>> -> memref<!tpu.dma_semaphore, #tpu.memory_space<semaphore_mem>>
    %dma_wait3A_381 = arith.constant 0 : i32
    %dma_wait3A_382 = arith.constant 0 : i32
    %dma_wait3A_383 = tpu.memref_slice %arg3[%dma_wait3A_377, %dma_wait3A_381, %dma_wait3A_382] : memref<5x1024x2048xf32, #tpu.memory_space<vmem>> -> memref<1x1024x2048xf32, #tpu.memory_space<vmem>>
    %dma_wait3A_384 = tpu.memref_squeeze %dma_wait3A_383 : memref<1x1024x2048xf32, #tpu.memory_space<vmem>> -> memref<1024x2048xf32, #tpu.memory_space<vmem>>
    %dma_wait3A_385 = arith.constant 4096 : i32
    %dma_wait3A_386 = arith.constant 0 : i32
    %dma_wait3A_387 = tpu.memref_slice %arg0[%dma_wait3A_385, %dma_wait3A_386] : memref<16384x2048xf32, #tpu.memory_space<hbm>> -> memref<1024x2048xf32, #tpu.memory_space<hbm>>
    tpu.wait_dma2 semaphore(%dma_wait3A_380 : memref<!tpu.dma_semaphore, #tpu.memory_space<semaphore_mem>>) src(%dma_wait3A_387 : memref<1024x2048xf32, #tpu.memory_space<hbm>>) dst(%dma_wait3A_384 : memref<1024x2048xf32, #tpu.memory_space<vmem>>)
    %get3A_388 = arith.constant 1 : index
    %get3A_389 = arith.constant 0 : index
    %get3A_390 = arith.constant 0 : index
    %get3A_391 = vector.load %arg3[%get3A_388, %get3A_389, %get3A_390] : memref<5x1024x2048xf32, #tpu.memory_space<vmem>>, vector<1x1024x2048xf32>
    %get3A_392 = vector.shape_cast %get3A_391 : vector<1x1024x2048xf32> to vector<1024x2048xf32>
    %get3A_393 = arith.constant 1 : index
    %get3A_394 = arith.constant 0 : index
    %get3A_395 = vector.load %arg1[%get3A_393, %get3A_394] : memref<8x2048xf32, #tpu.memory_space<vmem>>, vector<1x2048xf32>
    %get3A_396 = vector.shape_cast %get3A_395 : vector<1x2048xf32> to vector<2048xf32>
    %broadcast_in_dim3A_397 = vector.shape_cast %get3A_396 : vector<2048xf32> to vector<1x2048xf32>
    %add3A_398 = vector.broadcast %broadcast_in_dim3A_397 : vector<1x2048xf32> to vector<1024x2048xf32>
    %add3A_399 = arith.addf %get3A_392, %add3A_398 : vector<1024x2048xf32>
    %swap3A_400 = arith.constant 1 : index
    %swap3A_401 = arith.constant 0 : index
    %swap3A_402 = arith.constant 0 : index
    %swap3A_403 = vector.load %arg3[%swap3A_400, %swap3A_401, %swap3A_402] : memref<5x1024x2048xf32, #tpu.memory_space<vmem>>, vector<1x1024x2048xf32>
    %swap3A_404 = vector.shape_cast %swap3A_403 : vector<1x1024x2048xf32> to vector<1024x2048xf32>
    %swap3A_405 = vector.shape_cast %add3A_399 : vector<1024x2048xf32> to vector<1x1024x2048xf32>
    tpu.vector_store %arg3[%swap3A_400, %swap3A_401, %swap3A_402], %swap3A_405 {strides = array<i32>} : memref<5x1024x2048xf32, #tpu.memory_space<vmem>>, vector<1x1024x2048xf32>,
    %dma_start3A_406 = arith.constant 1 : i32
    %dma_start3A_407 = arith.constant 1 : i32
    %dma_start3A_408 = tpu.memref_slice %arg5[%dma_start3A_407] : memref<5x!tpu.dma_semaphore, #tpu.memory_space<semaphore_mem>> -> memref<1x!tpu.dma_semaphore, #tpu.memory_space<semaphore_mem>>
    %dma_start3A_409 = tpu.memref_squeeze %dma_start3A_408 : memref<1x!tpu.dma_semaphore, #tpu.memory_space<semaphore_mem>> -> memref<!tpu.dma_semaphore, #tpu.memory_space<semaphore_mem>>
    %dma_start3A_410 = arith.constant 4096 : i32
    %dma_start3A_411 = arith.constant 0 : i32
    %dma_start3A_412 = tpu.memref_slice %arg2[%dma_start3A_410, %dma_start3A_411] : memref<16384x2048xf32, #tpu.memory_space<hbm>> -> memref<1024x2048xf32, #tpu.memory_space<hbm>>
    %dma_start3A_413 = arith.constant 0 : i32
    %dma_start3A_414 = arith.constant 0 : i32
    %dma_start3A_415 = tpu.memref_slice %arg3[%dma_start3A_406, %dma_start3A_413, %dma_start3A_414] : memref<5x1024x2048xf32, #tpu.memory_space<vmem>> -> memref<1x1024x2048xf32, #tpu.memory_space<vmem>>
    %dma_start3A_416 = tpu.memref_squeeze %dma_start3A_415 : memref<1x1024x2048xf32, #tpu.memory_space<vmem>> -> memref<1024x2048xf32, #tpu.memory_space<vmem>>
    tpu.enqueue_dma source(%dma_start3A_416 : memref<1024x2048xf32, #tpu.memory_space<vmem>>) target(%dma_start3A_412 : memref<1024x2048xf32, #tpu.memory_space<hbm>>) target_semaphore(%dma_start3A_409 : memref<!tpu.dma_semaphore, #tpu.memory_space<semaphore_mem>>)
    %dma_wait3A_417 = arith.constant 4 : i32
    %dma_wait3A_418 = arith.constant 4 : i32
    %dma_wait3A_419 = tpu.memref_slice %arg5[%dma_wait3A_418] : memref<5x!tpu.dma_semaphore, #tpu.memory_space<semaphore_mem>> -> memref<1x!tpu.dma_semaphore, #tpu.memory_space<semaphore_mem>>
    %dma_wait3A_420 = tpu.memref_squeeze %dma_wait3A_419 : memref<1x!tpu.dma_semaphore, #tpu.memory_space<semaphore_mem>> -> memref<!tpu.dma_semaphore, #tpu.memory_space<semaphore_mem>>
    %dma_wait3A_421 = arith.constant 2048 : i32
    %dma_wait3A_422 = arith.constant 0 : i32
    %dma_wait3A_423 = tpu.memref_slice %arg2[%dma_wait3A_421, %dma_wait3A_422] : memref<16384x2048xf32, #tpu.memory_space<hbm>> -> memref<1024x2048xf32, #tpu.memory_space<hbm>>
    %dma_wait3A_424 = arith.constant 0 : i32
    %dma_wait3A_425 = arith.constant 0 : i32
    %dma_wait3A_426 = tpu.memref_slice %arg3[%dma_wait3A_417, %dma_wait3A_424, %dma_wait3A_425] : memref<5x1024x2048xf32, #tpu.memory_space<vmem>> -> memref<1x1024x2048xf32, #tpu.memory_space<vmem>>
    %dma_wait3A_427 = tpu.memref_squeeze %dma_wait3A_426 : memref<1x1024x2048xf32, #tpu.memory_space<vmem>> -> memref<1024x2048xf32, #tpu.memory_space<vmem>>
    tpu.wait_dma2 semaphore(%dma_wait3A_420 : memref<!tpu.dma_semaphore, #tpu.memory_space<semaphore_mem>>) src(%dma_wait3A_427 : memref<1024x2048xf32, #tpu.memory_space<vmem>>) dst(%dma_wait3A_423 : memref<1024x2048xf32, #tpu.memory_space<hbm>>)
    %dma_start3A_428 = arith.constant 4 : i32
    %dma_start3A_429 = arith.constant 4 : i32
    %dma_start3A_430 = tpu.memref_slice %arg4[%dma_start3A_429] : memref<5x!tpu.dma_semaphore, #tpu.memory_space<semaphore_mem>> -> memref<1x!tpu.dma_semaphore, #tpu.memory_space<semaphore_mem>>
    %dma_start3A_431 = tpu.memref_squeeze %dma_start3A_430 : memref<1x!tpu.dma_semaphore, #tpu.memory_space<semaphore_mem>> -> memref<!tpu.dma_semaphore, #tpu.memory_space<semaphore_mem>>
    %dma_start3A_432 = arith.constant 0 : i32
    %dma_start3A_433 = arith.constant 0 : i32
    %dma_start3A_434 = tpu.memref_slice %arg3[%dma_start3A_428, %dma_start3A_432, %dma_start3A_433] : memref<5x1024x2048xf32, #tpu.memory_space<vmem>> -> memref<1x1024x2048xf32, #tpu.memory_space<vmem>>
    %dma_start3A_435 = tpu.memref_squeeze %dma_start3A_434 : memref<1x1024x2048xf32, #tpu.memory_space<vmem>> -> memref<1024x2048xf32, #tpu.memory_space<vmem>>
    %dma_start3A_436 = arith.constant 7168 : i32
    %dma_start3A_437 = arith.constant 0 : i32
    %dma_start3A_438 = tpu.memref_slice %arg0[%dma_start3A_436, %dma_start3A_437] : memref<16384x2048xf32, #tpu.memory_space<hbm>> -> memref<1024x2048xf32, #tpu.memory_space<hbm>>
    tpu.enqueue_dma source(%dma_start3A_438 : memref<1024x2048xf32, #tpu.memory_space<hbm>>) target(%dma_start3A_435 : memref<1024x2048xf32, #tpu.memory_space<vmem>>) target_semaphore(%dma_start3A_431 : memref<!tpu.dma_semaphore, #tpu.memory_space<semaphore_mem>>)
    %dma_wait3A_439 = arith.constant 2 : i32
    %dma_wait3A_440 = arith.constant 2 : i32
    %dma_wait3A_441 = tpu.memref_slice %arg4[%dma_wait3A_440] : memref<5x!tpu.dma_semaphore, #tpu.memory_space<semaphore_mem>> -> memref<1x!tpu.dma_semaphore, #tpu.memory_space<semaphore_mem>>
    %dma_wait3A_442 = tpu.memref_squeeze %dma_wait3A_441 : memref<1x!tpu.dma_semaphore, #tpu.memory_space<semaphore_mem>> -> memref<!tpu.dma_semaphore, #tpu.memory_space<semaphore_mem>>
    %dma_wait3A_443 = arith.constant 0 : i32
    %dma_wait3A_444 = arith.constant 0 : i32
    %dma_wait3A_445 = tpu.memref_slice %arg3[%dma_wait3A_439, %dma_wait3A_443, %dma_wait3A_444] : memref<5x1024x2048xf32, #tpu.memory_space<vmem>> -> memref<1x1024x2048xf32, #tpu.memory_space<vmem>>
    %dma_wait3A_446 = tpu.memref_squeeze %dma_wait3A_445 : memref<1x1024x2048xf32, #tpu.memory_space<vmem>> -> memref<1024x2048xf32, #tpu.memory_space<vmem>>
    %dma_wait3A_447 = arith.constant 5120 : i32
    %dma_wait3A_448 = arith.constant 0 : i32
    %dma_wait3A_449 = tpu.memref_slice %arg0[%dma_wait3A_447, %dma_wait3A_448] : memref<16384x2048xf32, #tpu.memory_space<hbm>> -> memref<1024x2048xf32, #tpu.memory_space<hbm>>
    tpu.wait_dma2 semaphore(%dma_wait3A_442 : memref<!tpu.dma_semaphore, #tpu.memory_space<semaphore_mem>>) src(%dma_wait3A_449 : memref<1024x2048xf32, #tpu.memory_space<hbm>>) dst(%dma_wait3A_446 : memref<1024x2048xf32, #tpu.memory_space<vmem>>)
    %get3A_450 = arith.constant 2 : index
    %get3A_451 = arith.constant 0 : index
    %get3A_452 = arith.constant 0 : index
    %get3A_453 = vector.load %arg3[%get3A_450, %get3A_451, %get3A_452] : memref<5x1024x2048xf32, #tpu.memory_space<vmem>>, vector<1x1024x2048xf32>
    %get3A_454 = vector.shape_cast %get3A_453 : vector<1x1024x2048xf32> to vector<1024x2048xf32>
    %get3A_455 = arith.constant 1 : index
    %get3A_456 = arith.constant 0 : index
    %get3A_457 = vector.load %arg1[%get3A_455, %get3A_456] : memref<8x2048xf32, #tpu.memory_space<vmem>>, vector<1x2048xf32>
    %get3A_458 = vector.shape_cast %get3A_457 : vector<1x2048xf32> to vector<2048xf32>
    %broadcast_in_dim3A_459 = vector.shape_cast %get3A_458 : vector<2048xf32> to vector<1x2048xf32>
    %add3A_460 = vector.broadcast %broadcast_in_dim3A_459 : vector<1x2048xf32> to vector<1024x2048xf32>
    %add3A_461 = arith.addf %get3A_454, %add3A_460 : vector<1024x2048xf32>
    %swap3A_462 = arith.constant 2 : index
    %swap3A_463 = arith.constant 0 : index
    %swap3A_464 = arith.constant 0 : index
    %swap3A_465 = vector.load %arg3[%swap3A_462, %swap3A_463, %swap3A_464] : memref<5x1024x2048xf32, #tpu.memory_space<vmem>>, vector<1x1024x2048xf32>
    %swap3A_466 = vector.shape_cast %swap3A_465 : vector<1x1024x2048xf32> to vector<1024x2048xf32>
    %swap3A_467 = vector.shape_cast %add3A_461 : vector<1024x2048xf32> to vector<1x1024x2048xf32>
    tpu.vector_store %arg3[%swap3A_462, %swap3A_463, %swap3A_464], %swap3A_467 {strides = array<i32>} : memref<5x1024x2048xf32, #tpu.memory_space<vmem>>, vector<1x1024x2048xf32>,
    %dma_start3A_468 = arith.constant 2 : i32
    %dma_start3A_469 = arith.constant 2 : i32
    %dma_start3A_470 = tpu.memref_slice %arg5[%dma_start3A_469] : memref<5x!tpu.dma_semaphore, #tpu.memory_space<semaphore_mem>> -> memref<1x!tpu.dma_semaphore, #tpu.memory_space<semaphore_mem>>
    %dma_start3A_471 = tpu.memref_squeeze %dma_start3A_470 : memref<1x!tpu.dma_semaphore, #tpu.memory_space<semaphore_mem>> -> memref<!tpu.dma_semaphore, #tpu.memory_space<semaphore_mem>>
    %dma_start3A_472 = arith.constant 5120 : i32
    %dma_start3A_473 = arith.constant 0 : i32
    %dma_start3A_474 = tpu.memref_slice %arg2[%dma_start3A_472, %dma_start3A_473] : memref<16384x2048xf32, #tpu.memory_space<hbm>> -> memref<1024x2048xf32, #tpu.memory_space<hbm>>
    %dma_start3A_475 = arith.constant 0 : i32
    %dma_start3A_476 = arith.constant 0 : i32
    %dma_start3A_477 = tpu.memref_slice %arg3[%dma_start3A_468, %dma_start3A_475, %dma_start3A_476] : memref<5x1024x2048xf32, #tpu.memory_space<vmem>> -> memref<1x1024x2048xf32, #tpu.memory_space<vmem>>
    %dma_start3A_478 = tpu.memref_squeeze %dma_start3A_477 : memref<1x1024x2048xf32, #tpu.memory_space<vmem>> -> memref<1024x2048xf32, #tpu.memory_space<vmem>>
    tpu.enqueue_dma source(%dma_start3A_478 : memref<1024x2048xf32, #tpu.memory_space<vmem>>) target(%dma_start3A_474 : memref<1024x2048xf32, #tpu.memory_space<hbm>>) target_semaphore(%dma_start3A_471 : memref<!tpu.dma_semaphore, #tpu.memory_space<semaphore_mem>>)
    %dma_wait3A_479 = arith.constant 0 : i32
    %dma_wait3A_480 = arith.constant 0 : i32
    %dma_wait3A_481 = tpu.memref_slice %arg5[%dma_wait3A_480] : memref<5x!tpu.dma_semaphore, #tpu.memory_space<semaphore_mem>> -> memref<1x!tpu.dma_semaphore, #tpu.memory_space<semaphore_mem>>
    %dma_wait3A_482 = tpu.memref_squeeze %dma_wait3A_481 : memref<1x!tpu.dma_semaphore, #tpu.memory_space<semaphore_mem>> -> memref<!tpu.dma_semaphore, #tpu.memory_space<semaphore_mem>>
    %dma_wait3A_483 = arith.constant 3072 : i32
    %dma_wait3A_484 = arith.constant 0 : i32
    %dma_wait3A_485 = tpu.memref_slice %arg2[%dma_wait3A_483, %dma_wait3A_484] : memref<16384x2048xf32, #tpu.memory_space<hbm>> -> memref<1024x2048xf32, #tpu.memory_space<hbm>>
    %dma_wait3A_486 = arith.constant 0 : i32
    %dma_wait3A_487 = arith.constant 0 : i32
    %dma_wait3A_488 = tpu.memref_slice %arg3[%dma_wait3A_479, %dma_wait3A_486, %dma_wait3A_487] : memref<5x1024x2048xf32, #tpu.memory_space<vmem>> -> memref<1x1024x2048xf32, #tpu.memory_space<vmem>>
    %dma_wait3A_489 = tpu.memref_squeeze %dma_wait3A_488 : memref<1x1024x2048xf32, #tpu.memory_space<vmem>> -> memref<1024x2048xf32, #tpu.memory_space<vmem>>
    tpu.wait_dma2 semaphore(%dma_wait3A_482 : memref<!tpu.dma_semaphore, #tpu.memory_space<semaphore_mem>>) src(%dma_wait3A_489 : memref<1024x2048xf32, #tpu.memory_space<vmem>>) dst(%dma_wait3A_485 : memref<1024x2048xf32, #tpu.memory_space<hbm>>)
    %dma_start3A_490 = arith.constant 0 : i32
    %dma_start3A_491 = arith.constant 0 : i32
    %dma_start3A_492 = tpu.memref_slice %arg4[%dma_start3A_491] : memref<5x!tpu.dma_semaphore, #tpu.memory_space<semaphore_mem>> -> memref<1x!tpu.dma_semaphore, #tpu.memory_space<semaphore_mem>>
    %dma_start3A_493 = tpu.memref_squeeze %dma_start3A_492 : memref<1x!tpu.dma_semaphore, #tpu.memory_space<semaphore_mem>> -> memref<!tpu.dma_semaphore, #tpu.memory_space<semaphore_mem>>
    %dma_start3A_494 = arith.constant 0 : i32
    %dma_start3A_495 = arith.constant 0 : i32
    %dma_start3A_496 = tpu.memref_slice %arg3[%dma_start3A_490, %dma_start3A_494, %dma_start3A_495] : memref<5x1024x2048xf32, #tpu.memory_space<vmem>> -> memref<1x1024x2048xf32, #tpu.memory_space<vmem>>
    %dma_start3A_497 = tpu.memref_squeeze %dma_start3A_496 : memref<1x1024x2048xf32, #tpu.memory_space<vmem>> -> memref<1024x2048xf32, #tpu.memory_space<vmem>>
    %dma_start3A_498 = arith.constant 8192 : i32
    %dma_start3A_499 = arith.constant 0 : i32
    %dma_start3A_500 = tpu.memref_slice %arg0[%dma_start3A_498, %dma_start3A_499] : memref<16384x2048xf32, #tpu.memory_space<hbm>> -> memref<1024x2048xf32, #tpu.memory_space<hbm>>
    tpu.enqueue_dma source(%dma_start3A_500 : memref<1024x2048xf32, #tpu.memory_space<hbm>>) target(%dma_start3A_497 : memref<1024x2048xf32, #tpu.memory_space<vmem>>) target_semaphore(%dma_start3A_493 : memref<!tpu.dma_semaphore, #tpu.memory_space<semaphore_mem>>)
    %dma_wait3A_501 = arith.constant 3 : i32
    %dma_wait3A_502 = arith.constant 3 : i32
    %dma_wait3A_503 = tpu.memref_slice %arg4[%dma_wait3A_502] : memref<5x!tpu.dma_semaphore, #tpu.memory_space<semaphore_mem>> -> memref<1x!tpu.dma_semaphore, #tpu.memory_space<semaphore_mem>>
    %dma_wait3A_504 = tpu.memref_squeeze %dma_wait3A_503 : memref<1x!tpu.dma_semaphore, #tpu.memory_space<semaphore_mem>> -> memref<!tpu.dma_semaphore, #tpu.memory_space<semaphore_mem>>
    %dma_wait3A_505 = arith.constant 0 : i32
    %dma_wait3A_506 = arith.constant 0 : i32
    %dma_wait3A_507 = tpu.memref_slice %arg3[%dma_wait3A_501, %dma_wait3A_505, %dma_wait3A_506] : memref<5x1024x2048xf32, #tpu.memory_space<vmem>> -> memref<1x1024x2048xf32, #tpu.memory_space<vmem>>
    %dma_wait3A_508 = tpu.memref_squeeze %dma_wait3A_507 : memref<1x1024x2048xf32, #tpu.memory_space<vmem>> -> memref<1024x2048xf32, #tpu.memory_space<vmem>>
    %dma_wait3A_509 = arith.constant 6144 : i32
    %dma_wait3A_510 = arith.constant 0 : i32
    %dma_wait3A_511 = tpu.memref_slice %arg0[%dma_wait3A_509, %dma_wait3A_510] : memref<16384x2048xf32, #tpu.memory_space<hbm>> -> memref<1024x2048xf32, #tpu.memory_space<hbm>>
    tpu.wait_dma2 semaphore(%dma_wait3A_504 : memref<!tpu.dma_semaphore, #tpu.memory_space<semaphore_mem>>) src(%dma_wait3A_511 : memref<1024x2048xf32, #tpu.memory_space<hbm>>) dst(%dma_wait3A_508 : memref<1024x2048xf32, #tpu.memory_space<vmem>>)
    %get3A_512 = arith.constant 3 : index
    %get3A_513 = arith.constant 0 : index
    %get3A_514 = arith.constant 0 : index
    %get3A_515 = vector.load %arg3[%get3A_512, %get3A_513, %get3A_514] : memref<5x1024x2048xf32, #tpu.memory_space<vmem>>, vector<1x1024x2048xf32>
    %get3A_516 = vector.shape_cast %get3A_515 : vector<1x1024x2048xf32> to vector<1024x2048xf32>
    %get3A_517 = arith.constant 1 : index
    %get3A_518 = arith.constant 0 : index
    %get3A_519 = vector.load %arg1[%get3A_517, %get3A_518] : memref<8x2048xf32, #tpu.memory_space<vmem>>, vector<1x2048xf32>
    %get3A_520 = vector.shape_cast %get3A_519 : vector<1x2048xf32> to vector<2048xf32>
    %broadcast_in_dim3A_521 = vector.shape_cast %get3A_520 : vector<2048xf32> to vector<1x2048xf32>
    %add3A_522 = vector.broadcast %broadcast_in_dim3A_521 : vector<1x2048xf32> to vector<1024x2048xf32>
    %add3A_523 = arith.addf %get3A_516, %add3A_522 : vector<1024x2048xf32>
    %swap3A_524 = arith.constant 3 : index
    %swap3A_525 = arith.constant 0 : index
    %swap3A_526 = arith.constant 0 : index
    %swap3A_527 = vector.load %arg3[%swap3A_524, %swap3A_525, %swap3A_526] : memref<5x1024x2048xf32, #tpu.memory_space<vmem>>, vector<1x1024x2048xf32>
    %swap3A_528 = vector.shape_cast %swap3A_527 : vector<1x1024x2048xf32> to vector<1024x2048xf32>
    %swap3A_529 = vector.shape_cast %add3A_523 : vector<1024x2048xf32> to vector<1x1024x2048xf32>
    tpu.vector_store %arg3[%swap3A_524, %swap3A_525, %swap3A_526], %swap3A_529 {strides = array<i32>} : memref<5x1024x2048xf32, #tpu.memory_space<vmem>>, vector<1x1024x2048xf32>,
    %dma_start3A_530 = arith.constant 3 : i32
    %dma_start3A_531 = arith.constant 3 : i32
    %dma_start3A_532 = tpu.memref_slice %arg5[%dma_start3A_531] : memref<5x!tpu.dma_semaphore, #tpu.memory_space<semaphore_mem>> -> memref<1x!tpu.dma_semaphore, #tpu.memory_space<semaphore_mem>>
    %dma_start3A_533 = tpu.memref_squeeze %dma_start3A_532 : memref<1x!tpu.dma_semaphore, #tpu.memory_space<semaphore_mem>> -> memref<!tpu.dma_semaphore, #tpu.memory_space<semaphore_mem>>
    %dma_start3A_534 = arith.constant 6144 : i32
    %dma_start3A_535 = arith.constant 0 : i32
    %dma_start3A_536 = tpu.memref_slice %arg2[%dma_start3A_534, %dma_start3A_535] : memref<16384x2048xf32, #tpu.memory_space<hbm>> -> memref<1024x2048xf32, #tpu.memory_space<hbm>>
    %dma_start3A_537 = arith.constant 0 : i32
    %dma_start3A_538 = arith.constant 0 : i32
    %dma_start3A_539 = tpu.memref_slice %arg3[%dma_start3A_530, %dma_start3A_537, %dma_start3A_538] : memref<5x1024x2048xf32, #tpu.memory_space<vmem>> -> memref<1x1024x2048xf32, #tpu.memory_space<vmem>>
    %dma_start3A_540 = tpu.memref_squeeze %dma_start3A_539 : memref<1x1024x2048xf32, #tpu.memory_space<vmem>> -> memref<1024x2048xf32, #tpu.memory_space<vmem>>
    tpu.enqueue_dma source(%dma_start3A_540 : memref<1024x2048xf32, #tpu.memory_space<vmem>>) target(%dma_start3A_536 : memref<1024x2048xf32, #tpu.memory_space<hbm>>) target_semaphore(%dma_start3A_533 : memref<!tpu.dma_semaphore, #tpu.memory_space<semaphore_mem>>)
    %dma_wait3A_541 = arith.constant 1 : i32
    %dma_wait3A_542 = arith.constant 1 : i32
    %dma_wait3A_543 = tpu.memref_slice %arg5[%dma_wait3A_542] : memref<5x!tpu.dma_semaphore, #tpu.memory_space<semaphore_mem>> -> memref<1x!tpu.dma_semaphore, #tpu.memory_space<semaphore_mem>>
    %dma_wait3A_544 = tpu.memref_squeeze %dma_wait3A_543 : memref<1x!tpu.dma_semaphore, #tpu.memory_space<semaphore_mem>> -> memref<!tpu.dma_semaphore, #tpu.memory_space<semaphore_mem>>
    %dma_wait3A_545 = arith.constant 4096 : i32
    %dma_wait3A_546 = arith.constant 0 : i32
    %dma_wait3A_547 = tpu.memref_slice %arg2[%dma_wait3A_545, %dma_wait3A_546] : memref<16384x2048xf32, #tpu.memory_space<hbm>> -> memref<1024x2048xf32, #tpu.memory_space<hbm>>
    %dma_wait3A_548 = arith.constant 0 : i32
    %dma_wait3A_549 = arith.constant 0 : i32
    %dma_wait3A_550 = tpu.memref_slice %arg3[%dma_wait3A_541, %dma_wait3A_548, %dma_wait3A_549] : memref<5x1024x2048xf32, #tpu.memory_space<vmem>> -> memref<1x1024x2048xf32, #tpu.memory_space<vmem>>
    %dma_wait3A_551 = tpu.memref_squeeze %dma_wait3A_550 : memref<1x1024x2048xf32, #tpu.memory_space<vmem>> -> memref<1024x2048xf32, #tpu.memory_space<vmem>>
    tpu.wait_dma2 semaphore(%dma_wait3A_544 : memref<!tpu.dma_semaphore, #tpu.memory_space<semaphore_mem>>) src(%dma_wait3A_551 : memref<1024x2048xf32, #tpu.memory_space<vmem>>) dst(%dma_wait3A_547 : memref<1024x2048xf32, #tpu.memory_space<hbm>>)
    %dma_start3A_552 = arith.constant 1 : i32
    %dma_start3A_553 = arith.constant 1 : i32
    %dma_start3A_554 = tpu.memref_slice %arg4[%dma_start3A_553] : memref<5x!tpu.dma_semaphore, #tpu.memory_space<semaphore_mem>> -> memref<1x!tpu.dma_semaphore, #tpu.memory_space<semaphore_mem>>
    %dma_start3A_555 = tpu.memref_squeeze %dma_start3A_554 : memref<1x!tpu.dma_semaphore, #tpu.memory_space<semaphore_mem>> -> memref<!tpu.dma_semaphore, #tpu.memory_space<semaphore_mem>>
    %dma_start3A_556 = arith.constant 0 : i32
    %dma_start3A_557 = arith.constant 0 : i32
    %dma_start3A_558 = tpu.memref_slice %arg3[%dma_start3A_552, %dma_start3A_556, %dma_start3A_557] : memref<5x1024x2048xf32, #tpu.memory_space<vmem>> -> memref<1x1024x2048xf32, #tpu.memory_space<vmem>>
    %dma_start3A_559 = tpu.memref_squeeze %dma_start3A_558 : memref<1x1024x2048xf32, #tpu.memory_space<vmem>> -> memref<1024x2048xf32, #tpu.memory_space<vmem>>
    %dma_start3A_560 = arith.constant 9216 : i32
    %dma_start3A_561 = arith.constant 0 : i32
    %dma_start3A_562 = tpu.memref_slice %arg0[%dma_start3A_560, %dma_start3A_561] : memref<16384x2048xf32, #tpu.memory_space<hbm>> -> memref<1024x2048xf32, #tpu.memory_space<hbm>>
    tpu.enqueue_dma source(%dma_start3A_562 : memref<1024x2048xf32, #tpu.memory_space<hbm>>) target(%dma_start3A_559 : memref<1024x2048xf32, #tpu.memory_space<vmem>>) target_semaphore(%dma_start3A_555 : memref<!tpu.dma_semaphore, #tpu.memory_space<semaphore_mem>>)
    %dma_wait3A_563 = arith.constant 4 : i32
    %dma_wait3A_564 = arith.constant 4 : i32
    %dma_wait3A_565 = tpu.memref_slice %arg4[%dma_wait3A_564] : memref<5x!tpu.dma_semaphore, #tpu.memory_space<semaphore_mem>> -> memref<1x!tpu.dma_semaphore, #tpu.memory_space<semaphore_mem>>
    %dma_wait3A_566 = tpu.memref_squeeze %dma_wait3A_565 : memref<1x!tpu.dma_semaphore, #tpu.memory_space<semaphore_mem>> -> memref<!tpu.dma_semaphore, #tpu.memory_space<semaphore_mem>>
    %dma_wait3A_567 = arith.constant 0 : i32
    %dma_wait3A_568 = arith.constant 0 : i32
    %dma_wait3A_569 = tpu.memref_slice %arg3[%dma_wait3A_563, %dma_wait3A_567, %dma_wait3A_568] : memref<5x1024x2048xf32, #tpu.memory_space<vmem>> -> memref<1x1024x2048xf32, #tpu.memory_space<vmem>>
    %dma_wait3A_570 = tpu.memref_squeeze %dma_wait3A_569 : memref<1x1024x2048xf32, #tpu.memory_space<vmem>> -> memref<1024x2048xf32, #tpu.memory_space<vmem>>
    %dma_wait3A_571 = arith.constant 7168 : i32
    %dma_wait3A_572 = arith.constant 0 : i32
    %dma_wait3A_573 = tpu.memref_slice %arg0[%dma_wait3A_571, %dma_wait3A_572] : memref<16384x2048xf32, #tpu.memory_space<hbm>> -> memref<1024x2048xf32, #tpu.memory_space<hbm>>
    tpu.wait_dma2 semaphore(%dma_wait3A_566 : memref<!tpu.dma_semaphore, #tpu.memory_space<semaphore_mem>>) src(%dma_wait3A_573 : memref<1024x2048xf32, #tpu.memory_space<hbm>>) dst(%dma_wait3A_570 : memref<1024x2048xf32, #tpu.memory_space<vmem>>)
    %get3A_574 = arith.constant 4 : index
    %get3A_575 = arith.constant 0 : index
    %get3A_576 = arith.constant 0 : index
    %get3A_577 = vector.load %arg3[%get3A_574, %get3A_575, %get3A_576] : memref<5x1024x2048xf32, #tpu.memory_space<vmem>>, vector<1x1024x2048xf32>
    %get3A_578 = vector.shape_cast %get3A_577 : vector<1x1024x2048xf32> to vector<1024x2048xf32>
    %get3A_579 = arith.constant 1 : index
    %get3A_580 = arith.constant 0 : index
    %get3A_581 = vector.load %arg1[%get3A_579, %get3A_580] : memref<8x2048xf32, #tpu.memory_space<vmem>>, vector<1x2048xf32>
    %get3A_582 = vector.shape_cast %get3A_581 : vector<1x2048xf32> to vector<2048xf32>
    %broadcast_in_dim3A_583 = vector.shape_cast %get3A_582 : vector<2048xf32> to vector<1x2048xf32>
    %add3A_584 = vector.broadcast %broadcast_in_dim3A_583 : vector<1x2048xf32> to vector<1024x2048xf32>
    %add3A_585 = arith.addf %get3A_578, %add3A_584 : vector<1024x2048xf32>
    %swap3A_586 = arith.constant 4 : index
    %swap3A_587 = arith.constant 0 : index
    %swap3A_588 = arith.constant 0 : index
    %swap3A_589 = vector.load %arg3[%swap3A_586, %swap3A_587, %swap3A_588] : memref<5x1024x2048xf32, #tpu.memory_space<vmem>>, vector<1x1024x2048xf32>
    %swap3A_590 = vector.shape_cast %swap3A_589 : vector<1x1024x2048xf32> to vector<1024x2048xf32>
    %swap3A_591 = vector.shape_cast %add3A_585 : vector<1024x2048xf32> to vector<1x1024x2048xf32>
    tpu.vector_store %arg3[%swap3A_586, %swap3A_587, %swap3A_588], %swap3A_591 {strides = array<i32>} : memref<5x1024x2048xf32, #tpu.memory_space<vmem>>, vector<1x1024x2048xf32>,
    %dma_start3A_592 = arith.constant 4 : i32
    %dma_start3A_593 = arith.constant 4 : i32
    %dma_start3A_594 = tpu.memref_slice %arg5[%dma_start3A_593] : memref<5x!tpu.dma_semaphore, #tpu.memory_space<semaphore_mem>> -> memref<1x!tpu.dma_semaphore, #tpu.memory_space<semaphore_mem>>
    %dma_start3A_595 = tpu.memref_squeeze %dma_start3A_594 : memref<1x!tpu.dma_semaphore, #tpu.memory_space<semaphore_mem>> -> memref<!tpu.dma_semaphore, #tpu.memory_space<semaphore_mem>>
    %dma_start3A_596 = arith.constant 7168 : i32
    %dma_start3A_597 = arith.constant 0 : i32
    %dma_start3A_598 = tpu.memref_slice %arg2[%dma_start3A_596, %dma_start3A_597] : memref<16384x2048xf32, #tpu.memory_space<hbm>> -> memref<1024x2048xf32, #tpu.memory_space<hbm>>
    %dma_start3A_599 = arith.constant 0 : i32
    %dma_start3A_600 = arith.constant 0 : i32
    %dma_start3A_601 = tpu.memref_slice %arg3[%dma_start3A_592, %dma_start3A_599, %dma_start3A_600] : memref<5x1024x2048xf32, #tpu.memory_space<vmem>> -> memref<1x1024x2048xf32, #tpu.memory_space<vmem>>
    %dma_start3A_602 = tpu.memref_squeeze %dma_start3A_601 : memref<1x1024x2048xf32, #tpu.memory_space<vmem>> -> memref<1024x2048xf32, #tpu.memory_space<vmem>>
    tpu.enqueue_dma source(%dma_start3A_602 : memref<1024x2048xf32, #tpu.memory_space<vmem>>) target(%dma_start3A_598 : memref<1024x2048xf32, #tpu.memory_space<hbm>>) target_semaphore(%dma_start3A_595 : memref<!tpu.dma_semaphore, #tpu.memory_space<semaphore_mem>>)
    %dma_wait3A_603 = arith.constant 2 : i32
    %dma_wait3A_604 = arith.constant 2 : i32
    %dma_wait3A_605 = tpu.memref_slice %arg5[%dma_wait3A_604] : memref<5x!tpu.dma_semaphore, #tpu.memory_space<semaphore_mem>> -> memref<1x!tpu.dma_semaphore, #tpu.memory_space<semaphore_mem>>
    %dma_wait3A_606 = tpu.memref_squeeze %dma_wait3A_605 : memref<1x!tpu.dma_semaphore, #tpu.memory_space<semaphore_mem>> -> memref<!tpu.dma_semaphore, #tpu.memory_space<semaphore_mem>>
    %dma_wait3A_607 = arith.constant 5120 : i32
    %dma_wait3A_608 = arith.constant 0 : i32
    %dma_wait3A_609 = tpu.memref_slice %arg2[%dma_wait3A_607, %dma_wait3A_608] : memref<16384x2048xf32, #tpu.memory_space<hbm>> -> memref<1024x2048xf32, #tpu.memory_space<hbm>>
    %dma_wait3A_610 = arith.constant 0 : i32
    %dma_wait3A_611 = arith.constant 0 : i32
    %dma_wait3A_612 = tpu.memref_slice %arg3[%dma_wait3A_603, %dma_wait3A_610, %dma_wait3A_611] : memref<5x1024x2048xf32, #tpu.memory_space<vmem>> -> memref<1x1024x2048xf32, #tpu.memory_space<vmem>>
    %dma_wait3A_613 = tpu.memref_squeeze %dma_wait3A_612 : memref<1x1024x2048xf32, #tpu.memory_space<vmem>> -> memref<1024x2048xf32, #tpu.memory_space<vmem>>
    tpu.wait_dma2 semaphore(%dma_wait3A_606 : memref<!tpu.dma_semaphore, #tpu.memory_space<semaphore_mem>>) src(%dma_wait3A_613 : memref<1024x2048xf32, #tpu.memory_space<vmem>>) dst(%dma_wait3A_609 : memref<1024x2048xf32, #tpu.memory_space<hbm>>)
    %dma_start3A_614 = arith.constant 2 : i32
    %dma_start3A_615 = arith.constant 2 : i32
    %dma_start3A_616 = tpu.memref_slice %arg4[%dma_start3A_615] : memref<5x!tpu.dma_semaphore, #tpu.memory_space<semaphore_mem>> -> memref<1x!tpu.dma_semaphore, #tpu.memory_space<semaphore_mem>>
    %dma_start3A_617 = tpu.memref_squeeze %dma_start3A_616 : memref<1x!tpu.dma_semaphore, #tpu.memory_space<semaphore_mem>> -> memref<!tpu.dma_semaphore, #tpu.memory_space<semaphore_mem>>
    %dma_start3A_618 = arith.constant 0 : i32
    %dma_start3A_619 = arith.constant 0 : i32
    %dma_start3A_620 = tpu.memref_slice %arg3[%dma_start3A_614, %dma_start3A_618, %dma_start3A_619] : memref<5x1024x2048xf32, #tpu.memory_space<vmem>> -> memref<1x1024x2048xf32, #tpu.memory_space<vmem>>
    %dma_start3A_621 = tpu.memref_squeeze %dma_start3A_620 : memref<1x1024x2048xf32, #tpu.memory_space<vmem>> -> memref<1024x2048xf32, #tpu.memory_space<vmem>>
    %dma_start3A_622 = arith.constant 10240 : i32
    %dma_start3A_623 = arith.constant 0 : i32
    %dma_start3A_624 = tpu.memref_slice %arg0[%dma_start3A_622, %dma_start3A_623] : memref<16384x2048xf32, #tpu.memory_space<hbm>> -> memref<1024x2048xf32, #tpu.memory_space<hbm>>
    tpu.enqueue_dma source(%dma_start3A_624 : memref<1024x2048xf32, #tpu.memory_space<hbm>>) target(%dma_start3A_621 : memref<1024x2048xf32, #tpu.memory_space<vmem>>) target_semaphore(%dma_start3A_617 : memref<!tpu.dma_semaphore, #tpu.memory_space<semaphore_mem>>)
    %dma_wait3A_625 = arith.constant 0 : i32
    %dma_wait3A_626 = arith.constant 0 : i32
    %dma_wait3A_627 = tpu.memref_slice %arg4[%dma_wait3A_626] : memref<5x!tpu.dma_semaphore, #tpu.memory_space<semaphore_mem>> -> memref<1x!tpu.dma_semaphore, #tpu.memory_space<semaphore_mem>>
    %dma_wait3A_628 = tpu.memref_squeeze %dma_wait3A_627 : memref<1x!tpu.dma_semaphore, #tpu.memory_space<semaphore_mem>> -> memref<!tpu.dma_semaphore, #tpu.memory_space<semaphore_mem>>
    %dma_wait3A_629 = arith.constant 0 : i32
    %dma_wait3A_630 = arith.constant 0 : i32
    %dma_wait3A_631 = tpu.memref_slice %arg3[%dma_wait3A_625, %dma_wait3A_629, %dma_wait3A_630] : memref<5x1024x2048xf32, #tpu.memory_space<vmem>> -> memref<1x1024x2048xf32, #tpu.memory_space<vmem>>
    %dma_wait3A_632 = tpu.memref_squeeze %dma_wait3A_631 : memref<1x1024x2048xf32, #tpu.memory_space<vmem>> -> memref<1024x2048xf32, #tpu.memory_space<vmem>>
    %dma_wait3A_633 = arith.constant 8192 : i32
    %dma_wait3A_634 = arith.constant 0 : i32
    %dma_wait3A_635 = tpu.memref_slice %arg0[%dma_wait3A_633, %dma_wait3A_634] : memref<16384x2048xf32, #tpu.memory_space<hbm>> -> memref<1024x2048xf32, #tpu.memory_space<hbm>>
    tpu.wait_dma2 semaphore(%dma_wait3A_628 : memref<!tpu.dma_semaphore, #tpu.memory_space<semaphore_mem>>) src(%dma_wait3A_635 : memref<1024x2048xf32, #tpu.memory_space<hbm>>) dst(%dma_wait3A_632 : memref<1024x2048xf32, #tpu.memory_space<vmem>>)
    %get3A_636 = arith.constant 0 : index
    %get3A_637 = arith.constant 0 : index
    %get3A_638 = arith.constant 0 : index
    %get3A_639 = vector.load %arg3[%get3A_636, %get3A_637, %get3A_638] : memref<5x1024x2048xf32, #tpu.memory_space<vmem>>, vector<1x1024x2048xf32>
    %get3A_640 = vector.shape_cast %get3A_639 : vector<1x1024x2048xf32> to vector<1024x2048xf32>
    %get3A_641 = arith.constant 2 : index
    %get3A_642 = arith.constant 0 : index
    %get3A_643 = vector.load %arg1[%get3A_641, %get3A_642] : memref<8x2048xf32, #tpu.memory_space<vmem>>, vector<1x2048xf32>
    %get3A_644 = vector.shape_cast %get3A_643 : vector<1x2048xf32> to vector<2048xf32>
    %broadcast_in_dim3A_645 = vector.shape_cast %get3A_644 : vector<2048xf32> to vector<1x2048xf32>
    %add3A_646 = vector.broadcast %broadcast_in_dim3A_645 : vector<1x2048xf32> to vector<1024x2048xf32>
    %add3A_647 = arith.addf %get3A_640, %add3A_646 : vector<1024x2048xf32>
    %swap3A_648 = arith.constant 0 : index
    %swap3A_649 = arith.constant 0 : index
    %swap3A_650 = arith.constant 0 : index
    %swap3A_651 = vector.load %arg3[%swap3A_648, %swap3A_649, %swap3A_650] : memref<5x1024x2048xf32, #tpu.memory_space<vmem>>, vector<1x1024x2048xf32>
    %swap3A_652 = vector.shape_cast %swap3A_651 : vector<1x1024x2048xf32> to vector<1024x2048xf32>
    %swap3A_653 = vector.shape_cast %add3A_647 : vector<1024x2048xf32> to vector<1x1024x2048xf32>
    tpu.vector_store %arg3[%swap3A_648, %swap3A_649, %swap3A_650], %swap3A_653 {strides = array<i32>} : memref<5x1024x2048xf32, #tpu.memory_space<vmem>>, vector<1x1024x2048xf32>,
    %dma_start3A_654 = arith.constant 0 : i32
    %dma_start3A_655 = arith.constant 0 : i32
    %dma_start3A_656 = tpu.memref_slice %arg5[%dma_start3A_655] : memref<5x!tpu.dma_semaphore, #tpu.memory_space<semaphore_mem>> -> memref<1x!tpu.dma_semaphore, #tpu.memory_space<semaphore_mem>>
    %dma_start3A_657 = tpu.memref_squeeze %dma_start3A_656 : memref<1x!tpu.dma_semaphore, #tpu.memory_space<semaphore_mem>> -> memref<!tpu.dma_semaphore, #tpu.memory_space<semaphore_mem>>
    %dma_start3A_658 = arith.constant 8192 : i32
    %dma_start3A_659 = arith.constant 0 : i32
    %dma_start3A_660 = tpu.memref_slice %arg2[%dma_start3A_658, %dma_start3A_659] : memref<16384x2048xf32, #tpu.memory_space<hbm>> -> memref<1024x2048xf32, #tpu.memory_space<hbm>>
    %dma_start3A_661 = arith.constant 0 : i32
    %dma_start3A_662 = arith.constant 0 : i32
    %dma_start3A_663 = tpu.memref_slice %arg3[%dma_start3A_654, %dma_start3A_661, %dma_start3A_662] : memref<5x1024x2048xf32, #tpu.memory_space<vmem>> -> memref<1x1024x2048xf32, #tpu.memory_space<vmem>>
    %dma_start3A_664 = tpu.memref_squeeze %dma_start3A_663 : memref<1x1024x2048xf32, #tpu.memory_space<vmem>> -> memref<1024x2048xf32, #tpu.memory_space<vmem>>
    tpu.enqueue_dma source(%dma_start3A_664 : memref<1024x2048xf32, #tpu.memory_space<vmem>>) target(%dma_start3A_660 : memref<1024x2048xf32, #tpu.memory_space<hbm>>) target_semaphore(%dma_start3A_657 : memref<!tpu.dma_semaphore, #tpu.memory_space<semaphore_mem>>)
    %dma_wait3A_665 = arith.constant 3 : i32
    %dma_wait3A_666 = arith.constant 3 : i32
    %dma_wait3A_667 = tpu.memref_slice %arg5[%dma_wait3A_666] : memref<5x!tpu.dma_semaphore, #tpu.memory_space<semaphore_mem>> -> memref<1x!tpu.dma_semaphore, #tpu.memory_space<semaphore_mem>>
    %dma_wait3A_668 = tpu.memref_squeeze %dma_wait3A_667 : memref<1x!tpu.dma_semaphore, #tpu.memory_space<semaphore_mem>> -> memref<!tpu.dma_semaphore, #tpu.memory_space<semaphore_mem>>
    %dma_wait3A_669 = arith.constant 6144 : i32
    %dma_wait3A_670 = arith.constant 0 : i32
    %dma_wait3A_671 = tpu.memref_slice %arg2[%dma_wait3A_669, %dma_wait3A_670] : memref<16384x2048xf32, #tpu.memory_space<hbm>> -> memref<1024x2048xf32, #tpu.memory_space<hbm>>
    %dma_wait3A_672 = arith.constant 0 : i32
    %dma_wait3A_673 = arith.constant 0 : i32
    %dma_wait3A_674 = tpu.memref_slice %arg3[%dma_wait3A_665, %dma_wait3A_672, %dma_wait3A_673] : memref<5x1024x2048xf32, #tpu.memory_space<vmem>> -> memref<1x1024x2048xf32, #tpu.memory_space<vmem>>
    %dma_wait3A_675 = tpu.memref_squeeze %dma_wait3A_674 : memref<1x1024x2048xf32, #tpu.memory_space<vmem>> -> memref<1024x2048xf32, #tpu.memory_space<vmem>>
    tpu.wait_dma2 semaphore(%dma_wait3A_668 : memref<!tpu.dma_semaphore, #tpu.memory_space<semaphore_mem>>) src(%dma_wait3A_675 : memref<1024x2048xf32, #tpu.memory_space<vmem>>) dst(%dma_wait3A_671 : memref<1024x2048xf32, #tpu.memory_space<hbm>>)
    %dma_start3A_676 = arith.constant 3 : i32
    %dma_start3A_677 = arith.constant 3 : i32
    %dma_start3A_678 = tpu.memref_slice %arg4[%dma_start3A_677] : memref<5x!tpu.dma_semaphore, #tpu.memory_space<semaphore_mem>> -> memref<1x!tpu.dma_semaphore, #tpu.memory_space<semaphore_mem>>
    %dma_start3A_679 = tpu.memref_squeeze %dma_start3A_678 : memref<1x!tpu.dma_semaphore, #tpu.memory_space<semaphore_mem>> -> memref<!tpu.dma_semaphore, #tpu.memory_space<semaphore_mem>>
    %dma_start3A_680 = arith.constant 0 : i32
    %dma_start3A_681 = arith.constant 0 : i32
    %dma_start3A_682 = tpu.memref_slice %arg3[%dma_start3A_676, %dma_start3A_680, %dma_start3A_681] : memref<5x1024x2048xf32, #tpu.memory_space<vmem>> -> memref<1x1024x2048xf32, #tpu.memory_space<vmem>>
    %dma_start3A_683 = tpu.memref_squeeze %dma_start3A_682 : memref<1x1024x2048xf32, #tpu.memory_space<vmem>> -> memref<1024x2048xf32, #tpu.memory_space<vmem>>
    %dma_start3A_684 = arith.constant 11264 : i32
    %dma_start3A_685 = arith.constant 0 : i32
    %dma_start3A_686 = tpu.memref_slice %arg0[%dma_start3A_684, %dma_start3A_685] : memref<16384x2048xf32, #tpu.memory_space<hbm>> -> memref<1024x2048xf32, #tpu.memory_space<hbm>>
    tpu.enqueue_dma source(%dma_start3A_686 : memref<1024x2048xf32, #tpu.memory_space<hbm>>) target(%dma_start3A_683 : memref<1024x2048xf32, #tpu.memory_space<vmem>>) target_semaphore(%dma_start3A_679 : memref<!tpu.dma_semaphore, #tpu.memory_space<semaphore_mem>>)
    %dma_wait3A_687 = arith.constant 1 : i32
    %dma_wait3A_688 = arith.constant 1 : i32
    %dma_wait3A_689 = tpu.memref_slice %arg4[%dma_wait3A_688] : memref<5x!tpu.dma_semaphore, #tpu.memory_space<semaphore_mem>> -> memref<1x!tpu.dma_semaphore, #tpu.memory_space<semaphore_mem>>
    %dma_wait3A_690 = tpu.memref_squeeze %dma_wait3A_689 : memref<1x!tpu.dma_semaphore, #tpu.memory_space<semaphore_mem>> -> memref<!tpu.dma_semaphore, #tpu.memory_space<semaphore_mem>>
    %dma_wait3A_691 = arith.constant 0 : i32
    %dma_wait3A_692 = arith.constant 0 : i32
    %dma_wait3A_693 = tpu.memref_slice %arg3[%dma_wait3A_687, %dma_wait3A_691, %dma_wait3A_692] : memref<5x1024x2048xf32, #tpu.memory_space<vmem>> -> memref<1x1024x2048xf32, #tpu.memory_space<vmem>>
    %dma_wait3A_694 = tpu.memref_squeeze %dma_wait3A_693 : memref<1x1024x2048xf32, #tpu.memory_space<vmem>> -> memref<1024x2048xf32, #tpu.memory_space<vmem>>
    %dma_wait3A_695 = arith.constant 9216 : i32
    %dma_wait3A_696 = arith.constant 0 : i32
    %dma_wait3A_697 = tpu.memref_slice %arg0[%dma_wait3A_695, %dma_wait3A_696] : memref<16384x2048xf32, #tpu.memory_space<hbm>> -> memref<1024x2048xf32, #tpu.memory_space<hbm>>
    tpu.wait_dma2 semaphore(%dma_wait3A_690 : memref<!tpu.dma_semaphore, #tpu.memory_space<semaphore_mem>>) src(%dma_wait3A_697 : memref<1024x2048xf32, #tpu.memory_space<hbm>>) dst(%dma_wait3A_694 : memref<1024x2048xf32, #tpu.memory_space<vmem>>)
    %get3A_698 = arith.constant 1 : index
    %get3A_699 = arith.constant 0 : index
    %get3A_700 = arith.constant 0 : index
    %get3A_701 = vector.load %arg3[%get3A_698, %get3A_699, %get3A_700] : memref<5x1024x2048xf32, #tpu.memory_space<vmem>>, vector<1x1024x2048xf32>
    %get3A_702 = vector.shape_cast %get3A_701 : vector<1x1024x2048xf32> to vector<1024x2048xf32>
    %get3A_703 = arith.constant 2 : index
    %get3A_704 = arith.constant 0 : index
    %get3A_705 = vector.load %arg1[%get3A_703, %get3A_704] : memref<8x2048xf32, #tpu.memory_space<vmem>>, vector<1x2048xf32>
    %get3A_706 = vector.shape_cast %get3A_705 : vector<1x2048xf32> to vector<2048xf32>
    %broadcast_in_dim3A_707 = vector.shape_cast %get3A_706 : vector<2048xf32> to vector<1x2048xf32>
    %add3A_708 = vector.broadcast %broadcast_in_dim3A_707 : vector<1x2048xf32> to vector<1024x2048xf32>
    %add3A_709 = arith.addf %get3A_702, %add3A_708 : vector<1024x2048xf32>
    %swap3A_710 = arith.constant 1 : index
    %swap3A_711 = arith.constant 0 : index
    %swap3A_712 = arith.constant 0 : index
    %swap3A_713 = vector.load %arg3[%swap3A_710, %swap3A_711, %swap3A_712] : memref<5x1024x2048xf32, #tpu.memory_space<vmem>>, vector<1x1024x2048xf32>
    %swap3A_714 = vector.shape_cast %swap3A_713 : vector<1x1024x2048xf32> to vector<1024x2048xf32>
    %swap3A_715 = vector.shape_cast %add3A_709 : vector<1024x2048xf32> to vector<1x1024x2048xf32>
    tpu.vector_store %arg3[%swap3A_710, %swap3A_711, %swap3A_712], %swap3A_715 {strides = array<i32>} : memref<5x1024x2048xf32, #tpu.memory_space<vmem>>, vector<1x1024x2048xf32>,
    %dma_start3A_716 = arith.constant 1 : i32
    %dma_start3A_717 = arith.constant 1 : i32
    %dma_start3A_718 = tpu.memref_slice %arg5[%dma_start3A_717] : memref<5x!tpu.dma_semaphore, #tpu.memory_space<semaphore_mem>> -> memref<1x!tpu.dma_semaphore, #tpu.memory_space<semaphore_mem>>
    %dma_start3A_719 = tpu.memref_squeeze %dma_start3A_718 : memref<1x!tpu.dma_semaphore, #tpu.memory_space<semaphore_mem>> -> memref<!tpu.dma_semaphore, #tpu.memory_space<semaphore_mem>>
    %dma_start3A_720 = arith.constant 9216 : i32
    %dma_start3A_721 = arith.constant 0 : i32
    %dma_start3A_722 = tpu.memref_slice %arg2[%dma_start3A_720, %dma_start3A_721] : memref<16384x2048xf32, #tpu.memory_space<hbm>> -> memref<1024x2048xf32, #tpu.memory_space<hbm>>
    %dma_start3A_723 = arith.constant 0 : i32
    %dma_start3A_724 = arith.constant 0 : i32
    %dma_start3A_725 = tpu.memref_slice %arg3[%dma_start3A_716, %dma_start3A_723, %dma_start3A_724] : memref<5x1024x2048xf32, #tpu.memory_space<vmem>> -> memref<1x1024x2048xf32, #tpu.memory_space<vmem>>
    %dma_start3A_726 = tpu.memref_squeeze %dma_start3A_725 : memref<1x1024x2048xf32, #tpu.memory_space<vmem>> -> memref<1024x2048xf32, #tpu.memory_space<vmem>>
    tpu.enqueue_dma source(%dma_start3A_726 : memref<1024x2048xf32, #tpu.memory_space<vmem>>) target(%dma_start3A_722 : memref<1024x2048xf32, #tpu.memory_space<hbm>>) target_semaphore(%dma_start3A_719 : memref<!tpu.dma_semaphore, #tpu.memory_space<semaphore_mem>>)
    %dma_wait3A_727 = arith.constant 4 : i32
    %dma_wait3A_728 = arith.constant 4 : i32
    %dma_wait3A_729 = tpu.memref_slice %arg5[%dma_wait3A_728] : memref<5x!tpu.dma_semaphore, #tpu.memory_space<semaphore_mem>> -> memref<1x!tpu.dma_semaphore, #tpu.memory_space<semaphore_mem>>
    %dma_wait3A_730 = tpu.memref_squeeze %dma_wait3A_729 : memref<1x!tpu.dma_semaphore, #tpu.memory_space<semaphore_mem>> -> memref<!tpu.dma_semaphore, #tpu.memory_space<semaphore_mem>>
    %dma_wait3A_731 = arith.constant 7168 : i32
    %dma_wait3A_732 = arith.constant 0 : i32
    %dma_wait3A_733 = tpu.memref_slice %arg2[%dma_wait3A_731, %dma_wait3A_732] : memref<16384x2048xf32, #tpu.memory_space<hbm>> -> memref<1024x2048xf32, #tpu.memory_space<hbm>>
    %dma_wait3A_734 = arith.constant 0 : i32
    %dma_wait3A_735 = arith.constant 0 : i32
    %dma_wait3A_736 = tpu.memref_slice %arg3[%dma_wait3A_727, %dma_wait3A_734, %dma_wait3A_735] : memref<5x1024x2048xf32, #tpu.memory_space<vmem>> -> memref<1x1024x2048xf32, #tpu.memory_space<vmem>>
    %dma_wait3A_737 = tpu.memref_squeeze %dma_wait3A_736 : memref<1x1024x2048xf32, #tpu.memory_space<vmem>> -> memref<1024x2048xf32, #tpu.memory_space<vmem>>
    tpu.wait_dma2 semaphore(%dma_wait3A_730 : memref<!tpu.dma_semaphore, #tpu.memory_space<semaphore_mem>>) src(%dma_wait3A_737 : memref<1024x2048xf32, #tpu.memory_space<vmem>>) dst(%dma_wait3A_733 : memref<1024x2048xf32, #tpu.memory_space<hbm>>)
    %dma_start3A_738 = arith.constant 4 : i32
    %dma_start3A_739 = arith.constant 4 : i32
    %dma_start3A_740 = tpu.memref_slice %arg4[%dma_start3A_739] : memref<5x!tpu.dma_semaphore, #tpu.memory_space<semaphore_mem>> -> memref<1x!tpu.dma_semaphore, #tpu.memory_space<semaphore_mem>>
    %dma_start3A_741 = tpu.memref_squeeze %dma_start3A_740 : memref<1x!tpu.dma_semaphore, #tpu.memory_space<semaphore_mem>> -> memref<!tpu.dma_semaphore, #tpu.memory_space<semaphore_mem>>
    %dma_start3A_742 = arith.constant 0 : i32
    %dma_start3A_743 = arith.constant 0 : i32
    %dma_start3A_744 = tpu.memref_slice %arg3[%dma_start3A_738, %dma_start3A_742, %dma_start3A_743] : memref<5x1024x2048xf32, #tpu.memory_space<vmem>> -> memref<1x1024x2048xf32, #tpu.memory_space<vmem>>
    %dma_start3A_745 = tpu.memref_squeeze %dma_start3A_744 : memref<1x1024x2048xf32, #tpu.memory_space<vmem>> -> memref<1024x2048xf32, #tpu.memory_space<vmem>>
    %dma_start3A_746 = arith.constant 12288 : i32
    %dma_start3A_747 = arith.constant 0 : i32
    %dma_start3A_748 = tpu.memref_slice %arg0[%dma_start3A_746, %dma_start3A_747] : memref<16384x2048xf32, #tpu.memory_space<hbm>> -> memref<1024x2048xf32, #tpu.memory_space<hbm>>
    tpu.enqueue_dma source(%dma_start3A_748 : memref<1024x2048xf32, #tpu.memory_space<hbm>>) target(%dma_start3A_745 : memref<1024x2048xf32, #tpu.memory_space<vmem>>) target_semaphore(%dma_start3A_741 : memref<!tpu.dma_semaphore, #tpu.memory_space<semaphore_mem>>)
    %dma_wait3A_749 = arith.constant 2 : i32
    %dma_wait3A_750 = arith.constant 2 : i32
    %dma_wait3A_751 = tpu.memref_slice %arg4[%dma_wait3A_750] : memref<5x!tpu.dma_semaphore, #tpu.memory_space<semaphore_mem>> -> memref<1x!tpu.dma_semaphore, #tpu.memory_space<semaphore_mem>>
    %dma_wait3A_752 = tpu.memref_squeeze %dma_wait3A_751 : memref<1x!tpu.dma_semaphore, #tpu.memory_space<semaphore_mem>> -> memref<!tpu.dma_semaphore, #tpu.memory_space<semaphore_mem>>
    %dma_wait3A_753 = arith.constant 0 : i32
    %dma_wait3A_754 = arith.constant 0 : i32
    %dma_wait3A_755 = tpu.memref_slice %arg3[%dma_wait3A_749, %dma_wait3A_753, %dma_wait3A_754] : memref<5x1024x2048xf32, #tpu.memory_space<vmem>> -> memref<1x1024x2048xf32, #tpu.memory_space<vmem>>
    %dma_wait3A_756 = tpu.memref_squeeze %dma_wait3A_755 : memref<1x1024x2048xf32, #tpu.memory_space<vmem>> -> memref<1024x2048xf32, #tpu.memory_space<vmem>>
    %dma_wait3A_757 = arith.constant 10240 : i32
    %dma_wait3A_758 = arith.constant 0 : i32
    %dma_wait3A_759 = tpu.memref_slice %arg0[%dma_wait3A_757, %dma_wait3A_758] : memref<16384x2048xf32, #tpu.memory_space<hbm>> -> memref<1024x2048xf32, #tpu.memory_space<hbm>>
    tpu.wait_dma2 semaphore(%dma_wait3A_752 : memref<!tpu.dma_semaphore, #tpu.memory_space<semaphore_mem>>) src(%dma_wait3A_759 : memref<1024x2048xf32, #tpu.memory_space<hbm>>) dst(%dma_wait3A_756 : memref<1024x2048xf32, #tpu.memory_space<vmem>>)
    %get3A_760 = arith.constant 2 : index
    %get3A_761 = arith.constant 0 : index
    %get3A_762 = arith.constant 0 : index
    %get3A_763 = vector.load %arg3[%get3A_760, %get3A_761, %get3A_762] : memref<5x1024x2048xf32, #tpu.memory_space<vmem>>, vector<1x1024x2048xf32>
    %get3A_764 = vector.shape_cast %get3A_763 : vector<1x1024x2048xf32> to vector<1024x2048xf32>
    %get3A_765 = arith.constant 2 : index
    %get3A_766 = arith.constant 0 : index
    %get3A_767 = vector.load %arg1[%get3A_765, %get3A_766] : memref<8x2048xf32, #tpu.memory_space<vmem>>, vector<1x2048xf32>
    %get3A_768 = vector.shape_cast %get3A_767 : vector<1x2048xf32> to vector<2048xf32>
    %broadcast_in_dim3A_769 = vector.shape_cast %get3A_768 : vector<2048xf32> to vector<1x2048xf32>
    %add3A_770 = vector.broadcast %broadcast_in_dim3A_769 : vector<1x2048xf32> to vector<1024x2048xf32>
    %add3A_771 = arith.addf %get3A_764, %add3A_770 : vector<1024x2048xf32>
    %swap3A_772 = arith.constant 2 : index
    %swap3A_773 = arith.constant 0 : index
    %swap3A_774 = arith.constant 0 : index
    %swap3A_775 = vector.load %arg3[%swap3A_772, %swap3A_773, %swap3A_774] : memref<5x1024x2048xf32, #tpu.memory_space<vmem>>, vector<1x1024x2048xf32>
    %swap3A_776 = vector.shape_cast %swap3A_775 : vector<1x1024x2048xf32> to vector<1024x2048xf32>
    %swap3A_777 = vector.shape_cast %add3A_771 : vector<1024x2048xf32> to vector<1x1024x2048xf32>
    tpu.vector_store %arg3[%swap3A_772, %swap3A_773, %swap3A_774], %swap3A_777 {strides = array<i32>} : memref<5x1024x2048xf32, #tpu.memory_space<vmem>>, vector<1x1024x2048xf32>,
    %dma_start3A_778 = arith.constant 2 : i32
    %dma_start3A_779 = arith.constant 2 : i32
    %dma_start3A_780 = tpu.memref_slice %arg5[%dma_start3A_779] : memref<5x!tpu.dma_semaphore, #tpu.memory_space<semaphore_mem>> -> memref<1x!tpu.dma_semaphore, #tpu.memory_space<semaphore_mem>>
    %dma_start3A_781 = tpu.memref_squeeze %dma_start3A_780 : memref<1x!tpu.dma_semaphore, #tpu.memory_space<semaphore_mem>> -> memref<!tpu.dma_semaphore, #tpu.memory_space<semaphore_mem>>
    %dma_start3A_782 = arith.constant 10240 : i32
    %dma_start3A_783 = arith.constant 0 : i32
    %dma_start3A_784 = tpu.memref_slice %arg2[%dma_start3A_782, %dma_start3A_783] : memref<16384x2048xf32, #tpu.memory_space<hbm>> -> memref<1024x2048xf32, #tpu.memory_space<hbm>>
    %dma_start3A_785 = arith.constant 0 : i32
    %dma_start3A_786 = arith.constant 0 : i32
    %dma_start3A_787 = tpu.memref_slice %arg3[%dma_start3A_778, %dma_start3A_785, %dma_start3A_786] : memref<5x1024x2048xf32, #tpu.memory_space<vmem>> -> memref<1x1024x2048xf32, #tpu.memory_space<vmem>>
    %dma_start3A_788 = tpu.memref_squeeze %dma_start3A_787 : memref<1x1024x2048xf32, #tpu.memory_space<vmem>> -> memref<1024x2048xf32, #tpu.memory_space<vmem>>
    tpu.enqueue_dma source(%dma_start3A_788 : memref<1024x2048xf32, #tpu.memory_space<vmem>>) target(%dma_start3A_784 : memref<1024x2048xf32, #tpu.memory_space<hbm>>) target_semaphore(%dma_start3A_781 : memref<!tpu.dma_semaphore, #tpu.memory_space<semaphore_mem>>)
    %dma_wait3A_789 = arith.constant 0 : i32
    %dma_wait3A_790 = arith.constant 0 : i32
    %dma_wait3A_791 = tpu.memref_slice %arg5[%dma_wait3A_790] : memref<5x!tpu.dma_semaphore, #tpu.memory_space<semaphore_mem>> -> memref<1x!tpu.dma_semaphore, #tpu.memory_space<semaphore_mem>>
    %dma_wait3A_792 = tpu.memref_squeeze %dma_wait3A_791 : memref<1x!tpu.dma_semaphore, #tpu.memory_space<semaphore_mem>> -> memref<!tpu.dma_semaphore, #tpu.memory_space<semaphore_mem>>
    %dma_wait3A_793 = arith.constant 8192 : i32
    %dma_wait3A_794 = arith.constant 0 : i32
    %dma_wait3A_795 = tpu.memref_slice %arg2[%dma_wait3A_793, %dma_wait3A_794] : memref<16384x2048xf32, #tpu.memory_space<hbm>> -> memref<1024x2048xf32, #tpu.memory_space<hbm>>
    %dma_wait3A_796 = arith.constant 0 : i32
    %dma_wait3A_797 = arith.constant 0 : i32
    %dma_wait3A_798 = tpu.memref_slice %arg3[%dma_wait3A_789, %dma_wait3A_796, %dma_wait3A_797] : memref<5x1024x2048xf32, #tpu.memory_space<vmem>> -> memref<1x1024x2048xf32, #tpu.memory_space<vmem>>
    %dma_wait3A_799 = tpu.memref_squeeze %dma_wait3A_798 : memref<1x1024x2048xf32, #tpu.memory_space<vmem>> -> memref<1024x2048xf32, #tpu.memory_space<vmem>>
    tpu.wait_dma2 semaphore(%dma_wait3A_792 : memref<!tpu.dma_semaphore, #tpu.memory_space<semaphore_mem>>) src(%dma_wait3A_799 : memref<1024x2048xf32, #tpu.memory_space<vmem>>) dst(%dma_wait3A_795 : memref<1024x2048xf32, #tpu.memory_space<hbm>>)
    %dma_start3A_800 = arith.constant 0 : i32
    %dma_start3A_801 = arith.constant 0 : i32
    %dma_start3A_802 = tpu.memref_slice %arg4[%dma_start3A_801] : memref<5x!tpu.dma_semaphore, #tpu.memory_space<semaphore_mem>> -> memref<1x!tpu.dma_semaphore, #tpu.memory_space<semaphore_mem>>
    %dma_start3A_803 = tpu.memref_squeeze %dma_start3A_802 : memref<1x!tpu.dma_semaphore, #tpu.memory_space<semaphore_mem>> -> memref<!tpu.dma_semaphore, #tpu.memory_space<semaphore_mem>>
    %dma_start3A_804 = arith.constant 0 : i32
    %dma_start3A_805 = arith.constant 0 : i32
    %dma_start3A_806 = tpu.memref_slice %arg3[%dma_start3A_800, %dma_start3A_804, %dma_start3A_805] : memref<5x1024x2048xf32, #tpu.memory_space<vmem>> -> memref<1x1024x2048xf32, #tpu.memory_space<vmem>>
    %dma_start3A_807 = tpu.memref_squeeze %dma_start3A_806 : memref<1x1024x2048xf32, #tpu.memory_space<vmem>> -> memref<1024x2048xf32, #tpu.memory_space<vmem>>
    %dma_start3A_808 = arith.constant 13312 : i32
    %dma_start3A_809 = arith.constant 0 : i32
    %dma_start3A_810 = tpu.memref_slice %arg0[%dma_start3A_808, %dma_start3A_809] : memref<16384x2048xf32, #tpu.memory_space<hbm>> -> memref<1024x2048xf32, #tpu.memory_space<hbm>>
    tpu.enqueue_dma source(%dma_start3A_810 : memref<1024x2048xf32, #tpu.memory_space<hbm>>) target(%dma_start3A_807 : memref<1024x2048xf32, #tpu.memory_space<vmem>>) target_semaphore(%dma_start3A_803 : memref<!tpu.dma_semaphore, #tpu.memory_space<semaphore_mem>>)
    %dma_wait3A_811 = arith.constant 3 : i32
    %dma_wait3A_812 = arith.constant 3 : i32
    %dma_wait3A_813 = tpu.memref_slice %arg4[%dma_wait3A_812] : memref<5x!tpu.dma_semaphore, #tpu.memory_space<semaphore_mem>> -> memref<1x!tpu.dma_semaphore, #tpu.memory_space<semaphore_mem>>
    %dma_wait3A_814 = tpu.memref_squeeze %dma_wait3A_813 : memref<1x!tpu.dma_semaphore, #tpu.memory_space<semaphore_mem>> -> memref<!tpu.dma_semaphore, #tpu.memory_space<semaphore_mem>>
    %dma_wait3A_815 = arith.constant 0 : i32
    %dma_wait3A_816 = arith.constant 0 : i32
    %dma_wait3A_817 = tpu.memref_slice %arg3[%dma_wait3A_811, %dma_wait3A_815, %dma_wait3A_816] : memref<5x1024x2048xf32, #tpu.memory_space<vmem>> -> memref<1x1024x2048xf32, #tpu.memory_space<vmem>>
    %dma_wait3A_818 = tpu.memref_squeeze %dma_wait3A_817 : memref<1x1024x2048xf32, #tpu.memory_space<vmem>> -> memref<1024x2048xf32, #tpu.memory_space<vmem>>
    %dma_wait3A_819 = arith.constant 11264 : i32
    %dma_wait3A_820 = arith.constant 0 : i32
    %dma_wait3A_821 = tpu.memref_slice %arg0[%dma_wait3A_819, %dma_wait3A_820] : memref<16384x2048xf32, #tpu.memory_space<hbm>> -> memref<1024x2048xf32, #tpu.memory_space<hbm>>
    tpu.wait_dma2 semaphore(%dma_wait3A_814 : memref<!tpu.dma_semaphore, #tpu.memory_space<semaphore_mem>>) src(%dma_wait3A_821 : memref<1024x2048xf32, #tpu.memory_space<hbm>>) dst(%dma_wait3A_818 : memref<1024x2048xf32, #tpu.memory_space<vmem>>)
    %get3A_822 = arith.constant 3 : index
    %get3A_823 = arith.constant 0 : index
    %get3A_824 = arith.constant 0 : index
    %get3A_825 = vector.load %arg3[%get3A_822, %get3A_823, %get3A_824] : memref<5x1024x2048xf32, #tpu.memory_space<vmem>>, vector<1x1024x2048xf32>
    %get3A_826 = vector.shape_cast %get3A_825 : vector<1x1024x2048xf32> to vector<1024x2048xf32>
    %get3A_827 = arith.constant 2 : index
    %get3A_828 = arith.constant 0 : index
    %get3A_829 = vector.load %arg1[%get3A_827, %get3A_828] : memref<8x2048xf32, #tpu.memory_space<vmem>>, vector<1x2048xf32>
    %get3A_830 = vector.shape_cast %get3A_829 : vector<1x2048xf32> to vector<2048xf32>
    %broadcast_in_dim3A_831 = vector.shape_cast %get3A_830 : vector<2048xf32> to vector<1x2048xf32>
    %add3A_832 = vector.broadcast %broadcast_in_dim3A_831 : vector<1x2048xf32> to vector<1024x2048xf32>
    %add3A_833 = arith.addf %get3A_826, %add3A_832 : vector<1024x2048xf32>
    %swap3A_834 = arith.constant 3 : index
    %swap3A_835 = arith.constant 0 : index
    %swap3A_836 = arith.constant 0 : index
    %swap3A_837 = vector.load %arg3[%swap3A_834, %swap3A_835, %swap3A_836] : memref<5x1024x2048xf32, #tpu.memory_space<vmem>>, vector<1x1024x2048xf32>
    %swap3A_838 = vector.shape_cast %swap3A_837 : vector<1x1024x2048xf32> to vector<1024x2048xf32>
    %swap3A_839 = vector.shape_cast %add3A_833 : vector<1024x2048xf32> to vector<1x1024x2048xf32>
    tpu.vector_store %arg3[%swap3A_834, %swap3A_835, %swap3A_836], %swap3A_839 {strides = array<i32>} : memref<5x1024x2048xf32, #tpu.memory_space<vmem>>, vector<1x1024x2048xf32>,
    %dma_start3A_840 = arith.constant 3 : i32
    %dma_start3A_841 = arith.constant 3 : i32
    %dma_start3A_842 = tpu.memref_slice %arg5[%dma_start3A_841] : memref<5x!tpu.dma_semaphore, #tpu.memory_space<semaphore_mem>> -> memref<1x!tpu.dma_semaphore, #tpu.memory_space<semaphore_mem>>
    %dma_start3A_843 = tpu.memref_squeeze %dma_start3A_842 : memref<1x!tpu.dma_semaphore, #tpu.memory_space<semaphore_mem>> -> memref<!tpu.dma_semaphore, #tpu.memory_space<semaphore_mem>>
    %dma_start3A_844 = arith.constant 11264 : i32
    %dma_start3A_845 = arith.constant 0 : i32
    %dma_start3A_846 = tpu.memref_slice %arg2[%dma_start3A_844, %dma_start3A_845] : memref<16384x2048xf32, #tpu.memory_space<hbm>> -> memref<1024x2048xf32, #tpu.memory_space<hbm>>
    %dma_start3A_847 = arith.constant 0 : i32
    %dma_start3A_848 = arith.constant 0 : i32
    %dma_start3A_849 = tpu.memref_slice %arg3[%dma_start3A_840, %dma_start3A_847, %dma_start3A_848] : memref<5x1024x2048xf32, #tpu.memory_space<vmem>> -> memref<1x1024x2048xf32, #tpu.memory_space<vmem>>
    %dma_start3A_850 = tpu.memref_squeeze %dma_start3A_849 : memref<1x1024x2048xf32, #tpu.memory_space<vmem>> -> memref<1024x2048xf32, #tpu.memory_space<vmem>>
    tpu.enqueue_dma source(%dma_start3A_850 : memref<1024x2048xf32, #tpu.memory_space<vmem>>) target(%dma_start3A_846 : memref<1024x2048xf32, #tpu.memory_space<hbm>>) target_semaphore(%dma_start3A_843 : memref<!tpu.dma_semaphore, #tpu.memory_space<semaphore_mem>>)
    %dma_wait3A_851 = arith.constant 1 : i32
    %dma_wait3A_852 = arith.constant 1 : i32
    %dma_wait3A_853 = tpu.memref_slice %arg5[%dma_wait3A_852] : memref<5x!tpu.dma_semaphore, #tpu.memory_space<semaphore_mem>> -> memref<1x!tpu.dma_semaphore, #tpu.memory_space<semaphore_mem>>
    %dma_wait3A_854 = tpu.memref_squeeze %dma_wait3A_853 : memref<1x!tpu.dma_semaphore, #tpu.memory_space<semaphore_mem>> -> memref<!tpu.dma_semaphore, #tpu.memory_space<semaphore_mem>>
    %dma_wait3A_855 = arith.constant 9216 : i32
    %dma_wait3A_856 = arith.constant 0 : i32
    %dma_wait3A_857 = tpu.memref_slice %arg2[%dma_wait3A_855, %dma_wait3A_856] : memref<16384x2048xf32, #tpu.memory_space<hbm>> -> memref<1024x2048xf32, #tpu.memory_space<hbm>>
    %dma_wait3A_858 = arith.constant 0 : i32
    %dma_wait3A_859 = arith.constant 0 : i32
    %dma_wait3A_860 = tpu.memref_slice %arg3[%dma_wait3A_851, %dma_wait3A_858, %dma_wait3A_859] : memref<5x1024x2048xf32, #tpu.memory_space<vmem>> -> memref<1x1024x2048xf32, #tpu.memory_space<vmem>>
    %dma_wait3A_861 = tpu.memref_squeeze %dma_wait3A_860 : memref<1x1024x2048xf32, #tpu.memory_space<vmem>> -> memref<1024x2048xf32, #tpu.memory_space<vmem>>
    tpu.wait_dma2 semaphore(%dma_wait3A_854 : memref<!tpu.dma_semaphore, #tpu.memory_space<semaphore_mem>>) src(%dma_wait3A_861 : memref<1024x2048xf32, #tpu.memory_space<vmem>>) dst(%dma_wait3A_857 : memref<1024x2048xf32, #tpu.memory_space<hbm>>)
    %dma_start3A_862 = arith.constant 1 : i32
    %dma_start3A_863 = arith.constant 1 : i32
    %dma_start3A_864 = tpu.memref_slice %arg4[%dma_start3A_863] : memref<5x!tpu.dma_semaphore, #tpu.memory_space<semaphore_mem>> -> memref<1x!tpu.dma_semaphore, #tpu.memory_space<semaphore_mem>>
    %dma_start3A_865 = tpu.memref_squeeze %dma_start3A_864 : memref<1x!tpu.dma_semaphore, #tpu.memory_space<semaphore_mem>> -> memref<!tpu.dma_semaphore, #tpu.memory_space<semaphore_mem>>
    %dma_start3A_866 = arith.constant 0 : i32
    %dma_start3A_867 = arith.constant 0 : i32
    %dma_start3A_868 = tpu.memref_slice %arg3[%dma_start3A_862, %dma_start3A_866, %dma_start3A_867] : memref<5x1024x2048xf32, #tpu.memory_space<vmem>> -> memref<1x1024x2048xf32, #tpu.memory_space<vmem>>
    %dma_start3A_869 = tpu.memref_squeeze %dma_start3A_868 : memref<1x1024x2048xf32, #tpu.memory_space<vmem>> -> memref<1024x2048xf32, #tpu.memory_space<vmem>>
    %dma_start3A_870 = arith.constant 14336 : i32
    %dma_start3A_871 = arith.constant 0 : i32
    %dma_start3A_872 = tpu.memref_slice %arg0[%dma_start3A_870, %dma_start3A_871] : memref<16384x2048xf32, #tpu.memory_space<hbm>> -> memref<1024x2048xf32, #tpu.memory_space<hbm>>
    tpu.enqueue_dma source(%dma_start3A_872 : memref<1024x2048xf32, #tpu.memory_space<hbm>>) target(%dma_start3A_869 : memref<1024x2048xf32, #tpu.memory_space<vmem>>) target_semaphore(%dma_start3A_865 : memref<!tpu.dma_semaphore, #tpu.memory_space<semaphore_mem>>)
    %dma_wait3A_873 = arith.constant 4 : i32
    %dma_wait3A_874 = arith.constant 4 : i32
    %dma_wait3A_875 = tpu.memref_slice %arg4[%dma_wait3A_874] : memref<5x!tpu.dma_semaphore, #tpu.memory_space<semaphore_mem>> -> memref<1x!tpu.dma_semaphore, #tpu.memory_space<semaphore_mem>>
    %dma_wait3A_876 = tpu.memref_squeeze %dma_wait3A_875 : memref<1x!tpu.dma_semaphore, #tpu.memory_space<semaphore_mem>> -> memref<!tpu.dma_semaphore, #tpu.memory_space<semaphore_mem>>
    %dma_wait3A_877 = arith.constant 0 : i32
    %dma_wait3A_878 = arith.constant 0 : i32
    %dma_wait3A_879 = tpu.memref_slice %arg3[%dma_wait3A_873, %dma_wait3A_877, %dma_wait3A_878] : memref<5x1024x2048xf32, #tpu.memory_space<vmem>> -> memref<1x1024x2048xf32, #tpu.memory_space<vmem>>
    %dma_wait3A_880 = tpu.memref_squeeze %dma_wait3A_879 : memref<1x1024x2048xf32, #tpu.memory_space<vmem>> -> memref<1024x2048xf32, #tpu.memory_space<vmem>>
    %dma_wait3A_881 = arith.constant 12288 : i32
    %dma_wait3A_882 = arith.constant 0 : i32
    %dma_wait3A_883 = tpu.memref_slice %arg0[%dma_wait3A_881, %dma_wait3A_882] : memref<16384x2048xf32, #tpu.memory_space<hbm>> -> memref<1024x2048xf32, #tpu.memory_space<hbm>>
    tpu.wait_dma2 semaphore(%dma_wait3A_876 : memref<!tpu.dma_semaphore, #tpu.memory_space<semaphore_mem>>) src(%dma_wait3A_883 : memref<1024x2048xf32, #tpu.memory_space<hbm>>) dst(%dma_wait3A_880 : memref<1024x2048xf32, #tpu.memory_space<vmem>>)
    %get3A_884 = arith.constant 4 : index
    %get3A_885 = arith.constant 0 : index
    %get3A_886 = arith.constant 0 : index
    %get3A_887 = vector.load %arg3[%get3A_884, %get3A_885, %get3A_886] : memref<5x1024x2048xf32, #tpu.memory_space<vmem>>, vector<1x1024x2048xf32>
    %get3A_888 = vector.shape_cast %get3A_887 : vector<1x1024x2048xf32> to vector<1024x2048xf32>
    %get3A_889 = arith.constant 3 : index
    %get3A_890 = arith.constant 0 : index
    %get3A_891 = vector.load %arg1[%get3A_889, %get3A_890] : memref<8x2048xf32, #tpu.memory_space<vmem>>, vector<1x2048xf32>
    %get3A_892 = vector.shape_cast %get3A_891 : vector<1x2048xf32> to vector<2048xf32>
    %broadcast_in_dim3A_893 = vector.shape_cast %get3A_892 : vector<2048xf32> to vector<1x2048xf32>
    %add3A_894 = vector.broadcast %broadcast_in_dim3A_893 : vector<1x2048xf32> to vector<1024x2048xf32>
    %add3A_895 = arith.addf %get3A_888, %add3A_894 : vector<1024x2048xf32>
    %swap3A_896 = arith.constant 4 : index
    %swap3A_897 = arith.constant 0 : index
    %swap3A_898 = arith.constant 0 : index
    %swap3A_899 = vector.load %arg3[%swap3A_896, %swap3A_897, %swap3A_898] : memref<5x1024x2048xf32, #tpu.memory_space<vmem>>, vector<1x1024x2048xf32>
    %swap3A_900 = vector.shape_cast %swap3A_899 : vector<1x1024x2048xf32> to vector<1024x2048xf32>
    %swap3A_901 = vector.shape_cast %add3A_895 : vector<1024x2048xf32> to vector<1x1024x2048xf32>
    tpu.vector_store %arg3[%swap3A_896, %swap3A_897, %swap3A_898], %swap3A_901 {strides = array<i32>} : memref<5x1024x2048xf32, #tpu.memory_space<vmem>>, vector<1x1024x2048xf32>,
    %dma_start3A_902 = arith.constant 4 : i32
    %dma_start3A_903 = arith.constant 4 : i32
    %dma_start3A_904 = tpu.memref_slice %arg5[%dma_start3A_903] : memref<5x!tpu.dma_semaphore, #tpu.memory_space<semaphore_mem>> -> memref<1x!tpu.dma_semaphore, #tpu.memory_space<semaphore_mem>>
    %dma_start3A_905 = tpu.memref_squeeze %dma_start3A_904 : memref<1x!tpu.dma_semaphore, #tpu.memory_space<semaphore_mem>> -> memref<!tpu.dma_semaphore, #tpu.memory_space<semaphore_mem>>
    %dma_start3A_906 = arith.constant 12288 : i32
    %dma_start3A_907 = arith.constant 0 : i32
    %dma_start3A_908 = tpu.memref_slice %arg2[%dma_start3A_906, %dma_start3A_907] : memref<16384x2048xf32, #tpu.memory_space<hbm>> -> memref<1024x2048xf32, #tpu.memory_space<hbm>>
    %dma_start3A_909 = arith.constant 0 : i32
    %dma_start3A_910 = arith.constant 0 : i32
    %dma_start3A_911 = tpu.memref_slice %arg3[%dma_start3A_902, %dma_start3A_909, %dma_start3A_910] : memref<5x1024x2048xf32, #tpu.memory_space<vmem>> -> memref<1x1024x2048xf32, #tpu.memory_space<vmem>>
    %dma_start3A_912 = tpu.memref_squeeze %dma_start3A_911 : memref<1x1024x2048xf32, #tpu.memory_space<vmem>> -> memref<1024x2048xf32, #tpu.memory_space<vmem>>
    tpu.enqueue_dma source(%dma_start3A_912 : memref<1024x2048xf32, #tpu.memory_space<vmem>>) target(%dma_start3A_908 : memref<1024x2048xf32, #tpu.memory_space<hbm>>) target_semaphore(%dma_start3A_905 : memref<!tpu.dma_semaphore, #tpu.memory_space<semaphore_mem>>)
    %dma_wait3A_913 = arith.constant 2 : i32
    %dma_wait3A_914 = arith.constant 2 : i32
    %dma_wait3A_915 = tpu.memref_slice %arg5[%dma_wait3A_914] : memref<5x!tpu.dma_semaphore, #tpu.memory_space<semaphore_mem>> -> memref<1x!tpu.dma_semaphore, #tpu.memory_space<semaphore_mem>>
    %dma_wait3A_916 = tpu.memref_squeeze %dma_wait3A_915 : memref<1x!tpu.dma_semaphore, #tpu.memory_space<semaphore_mem>> -> memref<!tpu.dma_semaphore, #tpu.memory_space<semaphore_mem>>
    %dma_wait3A_917 = arith.constant 10240 : i32
    %dma_wait3A_918 = arith.constant 0 : i32
    %dma_wait3A_919 = tpu.memref_slice %arg2[%dma_wait3A_917, %dma_wait3A_918] : memref<16384x2048xf32, #tpu.memory_space<hbm>> -> memref<1024x2048xf32, #tpu.memory_space<hbm>>
    %dma_wait3A_920 = arith.constant 0 : i32
    %dma_wait3A_921 = arith.constant 0 : i32
    %dma_wait3A_922 = tpu.memref_slice %arg3[%dma_wait3A_913, %dma_wait3A_920, %dma_wait3A_921] : memref<5x1024x2048xf32, #tpu.memory_space<vmem>> -> memref<1x1024x2048xf32, #tpu.memory_space<vmem>>
    %dma_wait3A_923 = tpu.memref_squeeze %dma_wait3A_922 : memref<1x1024x2048xf32, #tpu.memory_space<vmem>> -> memref<1024x2048xf32, #tpu.memory_space<vmem>>
    tpu.wait_dma2 semaphore(%dma_wait3A_916 : memref<!tpu.dma_semaphore, #tpu.memory_space<semaphore_mem>>) src(%dma_wait3A_923 : memref<1024x2048xf32, #tpu.memory_space<vmem>>) dst(%dma_wait3A_919 : memref<1024x2048xf32, #tpu.memory_space<hbm>>)
    %dma_start3A_924 = arith.constant 2 : i32
    %dma_start3A_925 = arith.constant 2 : i32
    %dma_start3A_926 = tpu.memref_slice %arg4[%dma_start3A_925] : memref<5x!tpu.dma_semaphore, #tpu.memory_space<semaphore_mem>> -> memref<1x!tpu.dma_semaphore, #tpu.memory_space<semaphore_mem>>
    %dma_start3A_927 = tpu.memref_squeeze %dma_start3A_926 : memref<1x!tpu.dma_semaphore, #tpu.memory_space<semaphore_mem>> -> memref<!tpu.dma_semaphore, #tpu.memory_space<semaphore_mem>>
    %dma_start3A_928 = arith.constant 0 : i32
    %dma_start3A_929 = arith.constant 0 : i32
    %dma_start3A_930 = tpu.memref_slice %arg3[%dma_start3A_924, %dma_start3A_928, %dma_start3A_929] : memref<5x1024x2048xf32, #tpu.memory_space<vmem>> -> memref<1x512x2048xf32, #tpu.memory_space<vmem>>
    %dma_start3A_931 = tpu.memref_squeeze %dma_start3A_930 : memref<1x512x2048xf32, #tpu.memory_space<vmem>> -> memref<512x2048xf32, #tpu.memory_space<vmem>>
    %dma_start3A_932 = arith.constant 15360 : i32
    %dma_start3A_933 = arith.constant 0 : i32
    %dma_start3A_934 = tpu.memref_slice %arg0[%dma_start3A_932, %dma_start3A_933] : memref<16384x2048xf32, #tpu.memory_space<hbm>> -> memref<512x2048xf32, #tpu.memory_space<hbm>>
    tpu.enqueue_dma source(%dma_start3A_934 : memref<512x2048xf32, #tpu.memory_space<hbm>>) target(%dma_start3A_931 : memref<512x2048xf32, #tpu.memory_space<vmem>>) target_semaphore(%dma_start3A_927 : memref<!tpu.dma_semaphore, #tpu.memory_space<semaphore_mem>>)
    %dma_wait3A_935 = arith.constant 0 : i32
    %dma_wait3A_936 = arith.constant 0 : i32
    %dma_wait3A_937 = tpu.memref_slice %arg4[%dma_wait3A_936] : memref<5x!tpu.dma_semaphore, #tpu.memory_space<semaphore_mem>> -> memref<1x!tpu.dma_semaphore, #tpu.memory_space<semaphore_mem>>
    %dma_wait3A_938 = tpu.memref_squeeze %dma_wait3A_937 : memref<1x!tpu.dma_semaphore, #tpu.memory_space<semaphore_mem>> -> memref<!tpu.dma_semaphore, #tpu.memory_space<semaphore_mem>>
    %dma_wait3A_939 = arith.constant 0 : i32
    %dma_wait3A_940 = arith.constant 0 : i32
    %dma_wait3A_941 = tpu.memref_slice %arg3[%dma_wait3A_935, %dma_wait3A_939, %dma_wait3A_940] : memref<5x1024x2048xf32, #tpu.memory_space<vmem>> -> memref<1x1024x2048xf32, #tpu.memory_space<vmem>>
    %dma_wait3A_942 = tpu.memref_squeeze %dma_wait3A_941 : memref<1x1024x2048xf32, #tpu.memory_space<vmem>> -> memref<1024x2048xf32, #tpu.memory_space<vmem>>
    %dma_wait3A_943 = arith.constant 13312 : i32
    %dma_wait3A_944 = arith.constant 0 : i32
    %dma_wait3A_945 = tpu.memref_slice %arg0[%dma_wait3A_943, %dma_wait3A_944] : memref<16384x2048xf32, #tpu.memory_space<hbm>> -> memref<1024x2048xf32, #tpu.memory_space<hbm>>
    tpu.wait_dma2 semaphore(%dma_wait3A_938 : memref<!tpu.dma_semaphore, #tpu.memory_space<semaphore_mem>>) src(%dma_wait3A_945 : memref<1024x2048xf32, #tpu.memory_space<hbm>>) dst(%dma_wait3A_942 : memref<1024x2048xf32, #tpu.memory_space<vmem>>)
    %get3A_946 = arith.constant 0 : index
    %get3A_947 = arith.constant 0 : index
    %get3A_948 = arith.constant 0 : index
    %get3A_949 = vector.load %arg3[%get3A_946, %get3A_947, %get3A_948] : memref<5x1024x2048xf32, #tpu.memory_space<vmem>>, vector<1x1024x2048xf32>
    %get3A_950 = vector.shape_cast %get3A_949 : vector<1x1024x2048xf32> to vector<1024x2048xf32>
    %get3A_951 = arith.constant 3 : index
    %get3A_952 = arith.constant 0 : index
    %get3A_953 = vector.load %arg1[%get3A_951, %get3A_952] : memref<8x2048xf32, #tpu.memory_space<vmem>>, vector<1x2048xf32>
    %get3A_954 = vector.shape_cast %get3A_953 : vector<1x2048xf32> to vector<2048xf32>
    %broadcast_in_dim3A_955 = vector.shape_cast %get3A_954 : vector<2048xf32> to vector<1x2048xf32>
    %add3A_956 = vector.broadcast %broadcast_in_dim3A_955 : vector<1x2048xf32> to vector<1024x2048xf32>
    %add3A_957 = arith.addf %get3A_950, %add3A_956 : vector<1024x2048xf32>
    %swap3A_958 = arith.constant 0 : index
    %swap3A_959 = arith.constant 0 : index
    %swap3A_960 = arith.constant 0 : index
    %swap3A_961 = vector.load %arg3[%swap3A_958, %swap3A_959, %swap3A_960] : memref<5x1024x2048xf32, #tpu.memory_space<vmem>>, vector<1x1024x2048xf32>
    %swap3A_962 = vector.shape_cast %swap3A_961 : vector<1x1024x2048xf32> to vector<1024x2048xf32>
    %swap3A_963 = vector.shape_cast %add3A_957 : vector<1024x2048xf32> to vector<1x1024x2048xf32>
    tpu.vector_store %arg3[%swap3A_958, %swap3A_959, %swap3A_960], %swap3A_963 {strides = array<i32>} : memref<5x1024x2048xf32, #tpu.memory_space<vmem>>, vector<1x1024x2048xf32>,
    %dma_start3A_964 = arith.constant 0 : i32
    %dma_start3A_965 = arith.constant 0 : i32
    %dma_start3A_966 = tpu.memref_slice %arg5[%dma_start3A_965] : memref<5x!tpu.dma_semaphore, #tpu.memory_space<semaphore_mem>> -> memref<1x!tpu.dma_semaphore, #tpu.memory_space<semaphore_mem>>
    %dma_start3A_967 = tpu.memref_squeeze %dma_start3A_966 : memref<1x!tpu.dma_semaphore, #tpu.memory_space<semaphore_mem>> -> memref<!tpu.dma_semaphore, #tpu.memory_space<semaphore_mem>>
    %dma_start3A_968 = arith.constant 13312 : i32
    %dma_start3A_969 = arith.constant 0 : i32
    %dma_start3A_970 = tpu.memref_slice %arg2[%dma_start3A_968, %dma_start3A_969] : memref<16384x2048xf32, #tpu.memory_space<hbm>> -> memref<1024x2048xf32, #tpu.memory_space<hbm>>
    %dma_start3A_971 = arith.constant 0 : i32
    %dma_start3A_972 = arith.constant 0 : i32
    %dma_start3A_973 = tpu.memref_slice %arg3[%dma_start3A_964, %dma_start3A_971, %dma_start3A_972] : memref<5x1024x2048xf32, #tpu.memory_space<vmem>> -> memref<1x1024x2048xf32, #tpu.memory_space<vmem>>
    %dma_start3A_974 = tpu.memref_squeeze %dma_start3A_973 : memref<1x1024x2048xf32, #tpu.memory_space<vmem>> -> memref<1024x2048xf32, #tpu.memory_space<vmem>>
    tpu.enqueue_dma source(%dma_start3A_974 : memref<1024x2048xf32, #tpu.memory_space<vmem>>) target(%dma_start3A_970 : memref<1024x2048xf32, #tpu.memory_space<hbm>>) target_semaphore(%dma_start3A_967 : memref<!tpu.dma_semaphore, #tpu.memory_space<semaphore_mem>>)
    %dma_wait3A_975 = arith.constant 3 : i32
    %dma_wait3A_976 = arith.constant 3 : i32
    %dma_wait3A_977 = tpu.memref_slice %arg5[%dma_wait3A_976] : memref<5x!tpu.dma_semaphore, #tpu.memory_space<semaphore_mem>> -> memref<1x!tpu.dma_semaphore, #tpu.memory_space<semaphore_mem>>
    %dma_wait3A_978 = tpu.memref_squeeze %dma_wait3A_977 : memref<1x!tpu.dma_semaphore, #tpu.memory_space<semaphore_mem>> -> memref<!tpu.dma_semaphore, #tpu.memory_space<semaphore_mem>>
    %dma_wait3A_979 = arith.constant 11264 : i32
    %dma_wait3A_980 = arith.constant 0 : i32
    %dma_wait3A_981 = tpu.memref_slice %arg2[%dma_wait3A_979, %dma_wait3A_980] : memref<16384x2048xf32, #tpu.memory_space<hbm>> -> memref<1024x2048xf32, #tpu.memory_space<hbm>>
    %dma_wait3A_982 = arith.constant 0 : i32
    %dma_wait3A_983 = arith.constant 0 : i32
    %dma_wait3A_984 = tpu.memref_slice %arg3[%dma_wait3A_975, %dma_wait3A_982, %dma_wait3A_983] : memref<5x1024x2048xf32, #tpu.memory_space<vmem>> -> memref<1x1024x2048xf32, #tpu.memory_space<vmem>>
    %dma_wait3A_985 = tpu.memref_squeeze %dma_wait3A_984 : memref<1x1024x2048xf32, #tpu.memory_space<vmem>> -> memref<1024x2048xf32, #tpu.memory_space<vmem>>
    tpu.wait_dma2 semaphore(%dma_wait3A_978 : memref<!tpu.dma_semaphore, #tpu.memory_space<semaphore_mem>>) src(%dma_wait3A_985 : memref<1024x2048xf32, #tpu.memory_space<vmem>>) dst(%dma_wait3A_981 : memref<1024x2048xf32, #tpu.memory_space<hbm>>)
    %dma_start3A_986 = arith.constant 3 : i32
    %dma_start3A_987 = arith.constant 3 : i32
    %dma_start3A_988 = tpu.memref_slice %arg4[%dma_start3A_987] : memref<5x!tpu.dma_semaphore, #tpu.memory_space<semaphore_mem>> -> memref<1x!tpu.dma_semaphore, #tpu.memory_space<semaphore_mem>>
    %dma_start3A_989 = tpu.memref_squeeze %dma_start3A_988 : memref<1x!tpu.dma_semaphore, #tpu.memory_space<semaphore_mem>> -> memref<!tpu.dma_semaphore, #tpu.memory_space<semaphore_mem>>
    %dma_start3A_990 = arith.constant 0 : i32
    %dma_start3A_991 = arith.constant 0 : i32
    %dma_start3A_992 = tpu.memref_slice %arg3[%dma_start3A_986, %dma_start3A_990, %dma_start3A_991] : memref<5x1024x2048xf32, #tpu.memory_space<vmem>> -> memref<1x256x2048xf32, #tpu.memory_space<vmem>>
    %dma_start3A_993 = tpu.memref_squeeze %dma_start3A_992 : memref<1x256x2048xf32, #tpu.memory_space<vmem>> -> memref<256x2048xf32, #tpu.memory_space<vmem>>
    %dma_start3A_994 = arith.constant 15872 : i32
    %dma_start3A_995 = arith.constant 0 : i32
    %dma_start3A_996 = tpu.memref_slice %arg0[%dma_start3A_994, %dma_start3A_995] : memref<16384x2048xf32, #tpu.memory_space<hbm>> -> memref<256x2048xf32, #tpu.memory_space<hbm>>
    tpu.enqueue_dma source(%dma_start3A_996 : memref<256x2048xf32, #tpu.memory_space<hbm>>) target(%dma_start3A_993 : memref<256x2048xf32, #tpu.memory_space<vmem>>) target_semaphore(%dma_start3A_989 : memref<!tpu.dma_semaphore, #tpu.memory_space<semaphore_mem>>)
    %dma_wait3A_997 = arith.constant 1 : i32
    %dma_wait3A_998 = arith.constant 1 : i32
    %dma_wait3A_999 = tpu.memref_slice %arg4[%dma_wait3A_998] : memref<5x!tpu.dma_semaphore, #tpu.memory_space<semaphore_mem>> -> memref<1x!tpu.dma_semaphore, #tpu.memory_space<semaphore_mem>>
    %dma_wait3A_1000 = tpu.memref_squeeze %dma_wait3A_999 : memref<1x!tpu.dma_semaphore, #tpu.memory_space<semaphore_mem>> -> memref<!tpu.dma_semaphore, #tpu.memory_space<semaphore_mem>>
    %dma_wait3A_1001 = arith.constant 0 : i32
    %dma_wait3A_1002 = arith.constant 0 : i32
    %dma_wait3A_1003 = tpu.memref_slice %arg3[%dma_wait3A_997, %dma_wait3A_1001, %dma_wait3A_1002] : memref<5x1024x2048xf32, #tpu.memory_space<vmem>> -> memref<1x1024x2048xf32, #tpu.memory_space<vmem>>
    %dma_wait3A_1004 = tpu.memref_squeeze %dma_wait3A_1003 : memref<1x1024x2048xf32, #tpu.memory_space<vmem>> -> memref<1024x2048xf32, #tpu.memory_space<vmem>>
    %dma_wait3A_1005 = arith.constant 14336 : i32
    %dma_wait3A_1006 = arith.constant 0 : i32
    %dma_wait3A_1007 = tpu.memref_slice %arg0[%dma_wait3A_1005, %dma_wait3A_1006] : memref<16384x2048xf32, #tpu.memory_space<hbm>> -> memref<1024x2048xf32, #tpu.memory_space<hbm>>
    tpu.wait_dma2 semaphore(%dma_wait3A_1000 : memref<!tpu.dma_semaphore, #tpu.memory_space<semaphore_mem>>) src(%dma_wait3A_1007 : memref<1024x2048xf32, #tpu.memory_space<hbm>>) dst(%dma_wait3A_1004 : memref<1024x2048xf32, #tpu.memory_space<vmem>>)
    %get3A_1008 = arith.constant 1 : index
    %get3A_1009 = arith.constant 0 : index
    %get3A_1010 = arith.constant 0 : index
    %get3A_1011 = vector.load %arg3[%get3A_1008, %get3A_1009, %get3A_1010] : memref<5x1024x2048xf32, #tpu.memory_space<vmem>>, vector<1x1024x2048xf32>
    %get3A_1012 = vector.shape_cast %get3A_1011 : vector<1x1024x2048xf32> to vector<1024x2048xf32>
    %get3A_1013 = arith.constant 3 : index
    %get3A_1014 = arith.constant 0 : index
    %get3A_1015 = vector.load %arg1[%get3A_1013, %get3A_1014] : memref<8x2048xf32, #tpu.memory_space<vmem>>, vector<1x2048xf32>
    %get3A_1016 = vector.shape_cast %get3A_1015 : vector<1x2048xf32> to vector<2048xf32>
    %broadcast_in_dim3A_1017 = vector.shape_cast %get3A_1016 : vector<2048xf32> to vector<1x2048xf32>
    %add3A_1018 = vector.broadcast %broadcast_in_dim3A_1017 : vector<1x2048xf32> to vector<1024x2048xf32>
    %add3A_1019 = arith.addf %get3A_1012, %add3A_1018 : vector<1024x2048xf32>
    %swap3A_1020 = arith.constant 1 : index
    %swap3A_1021 = arith.constant 0 : index
    %swap3A_1022 = arith.constant 0 : index
    %swap3A_1023 = vector.load %arg3[%swap3A_1020, %swap3A_1021, %swap3A_1022] : memref<5x1024x2048xf32, #tpu.memory_space<vmem>>, vector<1x1024x2048xf32>
    %swap3A_1024 = vector.shape_cast %swap3A_1023 : vector<1x1024x2048xf32> to vector<1024x2048xf32>
    %swap3A_1025 = vector.shape_cast %add3A_1019 : vector<1024x2048xf32> to vector<1x1024x2048xf32>
    tpu.vector_store %arg3[%swap3A_1020, %swap3A_1021, %swap3A_1022], %swap3A_1025 {strides = array<i32>} : memref<5x1024x2048xf32, #tpu.memory_space<vmem>>, vector<1x1024x2048xf32>,
    %dma_start3A_1026 = arith.constant 1 : i32
    %dma_start3A_1027 = arith.constant 1 : i32
    %dma_start3A_1028 = tpu.memref_slice %arg5[%dma_start3A_1027] : memref<5x!tpu.dma_semaphore, #tpu.memory_space<semaphore_mem>> -> memref<1x!tpu.dma_semaphore, #tpu.memory_space<semaphore_mem>>
    %dma_start3A_1029 = tpu.memref_squeeze %dma_start3A_1028 : memref<1x!tpu.dma_semaphore, #tpu.memory_space<semaphore_mem>> -> memref<!tpu.dma_semaphore, #tpu.memory_space<semaphore_mem>>
    %dma_start3A_1030 = arith.constant 14336 : i32
    %dma_start3A_1031 = arith.constant 0 : i32
    %dma_start3A_1032 = tpu.memref_slice %arg2[%dma_start3A_1030, %dma_start3A_1031] : memref<16384x2048xf32, #tpu.memory_space<hbm>> -> memref<1024x2048xf32, #tpu.memory_space<hbm>>
    %dma_start3A_1033 = arith.constant 0 : i32
    %dma_start3A_1034 = arith.constant 0 : i32
    %dma_start3A_1035 = tpu.memref_slice %arg3[%dma_start3A_1026, %dma_start3A_1033, %dma_start3A_1034] : memref<5x1024x2048xf32, #tpu.memory_space<vmem>> -> memref<1x1024x2048xf32, #tpu.memory_space<vmem>>
    %dma_start3A_1036 = tpu.memref_squeeze %dma_start3A_1035 : memref<1x1024x2048xf32, #tpu.memory_space<vmem>> -> memref<1024x2048xf32, #tpu.memory_space<vmem>>
    tpu.enqueue_dma source(%dma_start3A_1036 : memref<1024x2048xf32, #tpu.memory_space<vmem>>) target(%dma_start3A_1032 : memref<1024x2048xf32, #tpu.memory_space<hbm>>) target_semaphore(%dma_start3A_1029 : memref<!tpu.dma_semaphore, #tpu.memory_space<semaphore_mem>>)
    %dma_wait3A_1037 = arith.constant 4 : i32
    %dma_wait3A_1038 = arith.constant 4 : i32
    %dma_wait3A_1039 = tpu.memref_slice %arg5[%dma_wait3A_1038] : memref<5x!tpu.dma_semaphore, #tpu.memory_space<semaphore_mem>> -> memref<1x!tpu.dma_semaphore, #tpu.memory_space<semaphore_mem>>
    %dma_wait3A_1040 = tpu.memref_squeeze %dma_wait3A_1039 : memref<1x!tpu.dma_semaphore, #tpu.memory_space<semaphore_mem>> -> memref<!tpu.dma_semaphore, #tpu.memory_space<semaphore_mem>>
    %dma_wait3A_1041 = arith.constant 12288 : i32
    %dma_wait3A_1042 = arith.constant 0 : i32
    %dma_wait3A_1043 = tpu.memref_slice %arg2[%dma_wait3A_1041, %dma_wait3A_1042] : memref<16384x2048xf32, #tpu.memory_space<hbm>> -> memref<1024x2048xf32, #tpu.memory_space<hbm>>
    %dma_wait3A_1044 = arith.constant 0 : i32
    %dma_wait3A_1045 = arith.constant 0 : i32
    %dma_wait3A_1046 = tpu.memref_slice %arg3[%dma_wait3A_1037, %dma_wait3A_1044, %dma_wait3A_1045] : memref<5x1024x2048xf32, #tpu.memory_space<vmem>> -> memref<1x1024x2048xf32, #tpu.memory_space<vmem>>
    %dma_wait3A_1047 = tpu.memref_squeeze %dma_wait3A_1046 : memref<1x1024x2048xf32, #tpu.memory_space<vmem>> -> memref<1024x2048xf32, #tpu.memory_space<vmem>>
    tpu.wait_dma2 semaphore(%dma_wait3A_1040 : memref<!tpu.dma_semaphore, #tpu.memory_space<semaphore_mem>>) src(%dma_wait3A_1047 : memref<1024x2048xf32, #tpu.memory_space<vmem>>) dst(%dma_wait3A_1043 : memref<1024x2048xf32, #tpu.memory_space<hbm>>)
    %dma_start3A_1048 = arith.constant 4 : i32
    %dma_start3A_1049 = arith.constant 4 : i32
    %dma_start3A_1050 = tpu.memref_slice %arg4[%dma_start3A_1049] : memref<5x!tpu.dma_semaphore, #tpu.memory_space<semaphore_mem>> -> memref<1x!tpu.dma_semaphore, #tpu.memory_space<semaphore_mem>>
    %dma_start3A_1051 = tpu.memref_squeeze %dma_start3A_1050 : memref<1x!tpu.dma_semaphore, #tpu.memory_space<semaphore_mem>> -> memref<!tpu.dma_semaphore, #tpu.memory_space<semaphore_mem>>
    %dma_start3A_1052 = arith.constant 0 : i32
    %dma_start3A_1053 = arith.constant 0 : i32
    %dma_start3A_1054 = tpu.memref_slice %arg3[%dma_start3A_1048, %dma_start3A_1052, %dma_start3A_1053] : memref<5x1024x2048xf32, #tpu.memory_space<vmem>> -> memref<1x256x2048xf32, #tpu.memory_space<vmem>>
    %dma_start3A_1055 = tpu.memref_squeeze %dma_start3A_1054 : memref<1x256x2048xf32, #tpu.memory_space<vmem>> -> memref<256x2048xf32, #tpu.memory_space<vmem>>
    %dma_start3A_1056 = arith.constant 16128 : i32
    %dma_start3A_1057 = arith.constant 0 : i32
    %dma_start3A_1058 = tpu.memref_slice %arg0[%dma_start3A_1056, %dma_start3A_1057] : memref<16384x2048xf32, #tpu.memory_space<hbm>> -> memref<256x2048xf32, #tpu.memory_space<hbm>>
    tpu.enqueue_dma source(%dma_start3A_1058 : memref<256x2048xf32, #tpu.memory_space<hbm>>) target(%dma_start3A_1055 : memref<256x2048xf32, #tpu.memory_space<vmem>>) target_semaphore(%dma_start3A_1051 : memref<!tpu.dma_semaphore, #tpu.memory_space<semaphore_mem>>)
    %dma_wait3A_1059 = arith.constant 2 : i32
    %dma_wait3A_1060 = arith.constant 2 : i32
    %dma_wait3A_1061 = tpu.memref_slice %arg4[%dma_wait3A_1060] : memref<5x!tpu.dma_semaphore, #tpu.memory_space<semaphore_mem>> -> memref<1x!tpu.dma_semaphore, #tpu.memory_space<semaphore_mem>>
    %dma_wait3A_1062 = tpu.memref_squeeze %dma_wait3A_1061 : memref<1x!tpu.dma_semaphore, #tpu.memory_space<semaphore_mem>> -> memref<!tpu.dma_semaphore, #tpu.memory_space<semaphore_mem>>
    %dma_wait3A_1063 = arith.constant 0 : i32
    %dma_wait3A_1064 = arith.constant 0 : i32
    %dma_wait3A_1065 = tpu.memref_slice %arg3[%dma_wait3A_1059, %dma_wait3A_1063, %dma_wait3A_1064] : memref<5x1024x2048xf32, #tpu.memory_space<vmem>> -> memref<1x512x2048xf32, #tpu.memory_space<vmem>>
    %dma_wait3A_1066 = tpu.memref_squeeze %dma_wait3A_1065 : memref<1x512x2048xf32, #tpu.memory_space<vmem>> -> memref<512x2048xf32, #tpu.memory_space<vmem>>
    %dma_wait3A_1067 = arith.constant 15360 : i32
    %dma_wait3A_1068 = arith.constant 0 : i32
    %dma_wait3A_1069 = tpu.memref_slice %arg0[%dma_wait3A_1067, %dma_wait3A_1068] : memref<16384x2048xf32, #tpu.memory_space<hbm>> -> memref<512x2048xf32, #tpu.memory_space<hbm>>
    tpu.wait_dma2 semaphore(%dma_wait3A_1062 : memref<!tpu.dma_semaphore, #tpu.memory_space<semaphore_mem>>) src(%dma_wait3A_1069 : memref<512x2048xf32, #tpu.memory_space<hbm>>) dst(%dma_wait3A_1066 : memref<512x2048xf32, #tpu.memory_space<vmem>>)
    %get3A_1070 = arith.constant 2 : index
    %get3A_1071 = arith.constant 0 : index
    %get3A_1072 = arith.constant 0 : index
    %get3A_1073 = vector.load %arg3[%get3A_1070, %get3A_1071, %get3A_1072] : memref<5x1024x2048xf32, #tpu.memory_space<vmem>>, vector<1x512x2048xf32>
    %get3A_1074 = vector.shape_cast %get3A_1073 : vector<1x512x2048xf32> to vector<512x2048xf32>
    %get3A_1075 = arith.constant 3 : index
    %get3A_1076 = arith.constant 0 : index
    %get3A_1077 = vector.load %arg1[%get3A_1075, %get3A_1076] : memref<8x2048xf32, #tpu.memory_space<vmem>>, vector<1x2048xf32>
    %get3A_1078 = vector.shape_cast %get3A_1077 : vector<1x2048xf32> to vector<2048xf32>
    %broadcast_in_dim3A_1079 = vector.shape_cast %get3A_1078 : vector<2048xf32> to vector<1x2048xf32>
    %add3A_1080 = vector.broadcast %broadcast_in_dim3A_1079 : vector<1x2048xf32> to vector<512x2048xf32>
    %add3A_1081 = arith.addf %get3A_1074, %add3A_1080 : vector<512x2048xf32>
    %swap3A_1082 = arith.constant 2 : index
    %swap3A_1083 = arith.constant 0 : index
    %swap3A_1084 = arith.constant 0 : index
    %swap3A_1085 = vector.load %arg3[%swap3A_1082, %swap3A_1083, %swap3A_1084] : memref<5x1024x2048xf32, #tpu.memory_space<vmem>>, vector<1x512x2048xf32>
    %swap3A_1086 = vector.shape_cast %swap3A_1085 : vector<1x512x2048xf32> to vector<512x2048xf32>
    %swap3A_1087 = vector.shape_cast %add3A_1081 : vector<512x2048xf32> to vector<1x512x2048xf32>
    tpu.vector_store %arg3[%swap3A_1082, %swap3A_1083, %swap3A_1084], %swap3A_1087 {strides = array<i32>} : memref<5x1024x2048xf32, #tpu.memory_space<vmem>>, vector<1x512x2048xf32>,
    %dma_start3A_1088 = arith.constant 2 : i32
    %dma_start3A_1089 = arith.constant 2 : i32
    %dma_start3A_1090 = tpu.memref_slice %arg5[%dma_start3A_1089] : memref<5x!tpu.dma_semaphore, #tpu.memory_space<semaphore_mem>> -> memref<1x!tpu.dma_semaphore, #tpu.memory_space<semaphore_mem>>
    %dma_start3A_1091 = tpu.memref_squeeze %dma_start3A_1090 : memref<1x!tpu.dma_semaphore, #tpu.memory_space<semaphore_mem>> -> memref<!tpu.dma_semaphore, #tpu.memory_space<semaphore_mem>>
    %dma_start3A_1092 = arith.constant 15360 : i32
    %dma_start3A_1093 = arith.constant 0 : i32
    %dma_start3A_1094 = tpu.memref_slice %arg2[%dma_start3A_1092, %dma_start3A_1093] : memref<16384x2048xf32, #tpu.memory_space<hbm>> -> memref<512x2048xf32, #tpu.memory_space<hbm>>
    %dma_start3A_1095 = arith.constant 0 : i32
    %dma_start3A_1096 = arith.constant 0 : i32
    %dma_start3A_1097 = tpu.memref_slice %arg3[%dma_start3A_1088, %dma_start3A_1095, %dma_start3A_1096] : memref<5x1024x2048xf32, #tpu.memory_space<vmem>> -> memref<1x512x2048xf32, #tpu.memory_space<vmem>>
    %dma_start3A_1098 = tpu.memref_squeeze %dma_start3A_1097 : memref<1x512x2048xf32, #tpu.memory_space<vmem>> -> memref<512x2048xf32, #tpu.memory_space<vmem>>
    tpu.enqueue_dma source(%dma_start3A_1098 : memref<512x2048xf32, #tpu.memory_space<vmem>>) target(%dma_start3A_1094 : memref<512x2048xf32, #tpu.memory_space<hbm>>) target_semaphore(%dma_start3A_1091 : memref<!tpu.dma_semaphore, #tpu.memory_space<semaphore_mem>>)
    %dma_wait3A_1099 = arith.constant 3 : i32
    %dma_wait3A_1100 = arith.constant 3 : i32
    %dma_wait3A_1101 = tpu.memref_slice %arg4[%dma_wait3A_1100] : memref<5x!tpu.dma_semaphore, #tpu.memory_space<semaphore_mem>> -> memref<1x!tpu.dma_semaphore, #tpu.memory_space<semaphore_mem>>
    %dma_wait3A_1102 = tpu.memref_squeeze %dma_wait3A_1101 : memref<1x!tpu.dma_semaphore, #tpu.memory_space<semaphore_mem>> -> memref<!tpu.dma_semaphore, #tpu.memory_space<semaphore_mem>>
    %dma_wait3A_1103 = arith.constant 0 : i32
    %dma_wait3A_1104 = arith.constant 0 : i32
    %dma_wait3A_1105 = tpu.memref_slice %arg3[%dma_wait3A_1099, %dma_wait3A_1103, %dma_wait3A_1104] : memref<5x1024x2048xf32, #tpu.memory_space<vmem>> -> memref<1x256x2048xf32, #tpu.memory_space<vmem>>
    %dma_wait3A_1106 = tpu.memref_squeeze %dma_wait3A_1105 : memref<1x256x2048xf32, #tpu.memory_space<vmem>> -> memref<256x2048xf32, #tpu.memory_space<vmem>>
    %dma_wait3A_1107 = arith.constant 15872 : i32
    %dma_wait3A_1108 = arith.constant 0 : i32
    %dma_wait3A_1109 = tpu.memref_slice %arg0[%dma_wait3A_1107, %dma_wait3A_1108] : memref<16384x2048xf32, #tpu.memory_space<hbm>> -> memref<256x2048xf32, #tpu.memory_space<hbm>>
    tpu.wait_dma2 semaphore(%dma_wait3A_1102 : memref<!tpu.dma_semaphore, #tpu.memory_space<semaphore_mem>>) src(%dma_wait3A_1109 : memref<256x2048xf32, #tpu.memory_space<hbm>>) dst(%dma_wait3A_1106 : memref<256x2048xf32, #tpu.memory_space<vmem>>)
    %get3A_1110 = arith.constant 3 : index
    %get3A_1111 = arith.constant 0 : index
    %get3A_1112 = arith.constant 0 : index
    %get3A_1113 = vector.load %arg3[%get3A_1110, %get3A_1111, %get3A_1112] : memref<5x1024x2048xf32, #tpu.memory_space<vmem>>, vector<1x256x2048xf32>
    %get3A_1114 = vector.shape_cast %get3A_1113 : vector<1x256x2048xf32> to vector<256x2048xf32>
    %get3A_1115 = arith.constant 3 : index
    %get3A_1116 = arith.constant 0 : index
    %get3A_1117 = vector.load %arg1[%get3A_1115, %get3A_1116] : memref<8x2048xf32, #tpu.memory_space<vmem>>, vector<1x2048xf32>
    %get3A_1118 = vector.shape_cast %get3A_1117 : vector<1x2048xf32> to vector<2048xf32>
    %broadcast_in_dim3A_1119 = vector.shape_cast %get3A_1118 : vector<2048xf32> to vector<1x2048xf32>
    %add3A_1120 = vector.broadcast %broadcast_in_dim3A_1119 : vector<1x2048xf32> to vector<256x2048xf32>
    %add3A_1121 = arith.addf %get3A_1114, %add3A_1120 : vector<256x2048xf32>
    %swap3A_1122 = arith.constant 3 : index
    %swap3A_1123 = arith.constant 0 : index
    %swap3A_1124 = arith.constant 0 : index
    %swap3A_1125 = vector.load %arg3[%swap3A_1122, %swap3A_1123, %swap3A_1124] : memref<5x1024x2048xf32, #tpu.memory_space<vmem>>, vector<1x256x2048xf32>
    %swap3A_1126 = vector.shape_cast %swap3A_1125 : vector<1x256x2048xf32> to vector<256x2048xf32>
    %swap3A_1127 = vector.shape_cast %add3A_1121 : vector<256x2048xf32> to vector<1x256x2048xf32>
    tpu.vector_store %arg3[%swap3A_1122, %swap3A_1123, %swap3A_1124], %swap3A_1127 {strides = array<i32>} : memref<5x1024x2048xf32, #tpu.memory_space<vmem>>, vector<1x256x2048xf32>,
    %dma_start3A_1128 = arith.constant 3 : i32
    %dma_start3A_1129 = arith.constant 3 : i32
    %dma_start3A_1130 = tpu.memref_slice %arg5[%dma_start3A_1129] : memref<5x!tpu.dma_semaphore, #tpu.memory_space<semaphore_mem>> -> memref<1x!tpu.dma_semaphore, #tpu.memory_space<semaphore_mem>>
    %dma_start3A_1131 = tpu.memref_squeeze %dma_start3A_1130 : memref<1x!tpu.dma_semaphore, #tpu.memory_space<semaphore_mem>> -> memref<!tpu.dma_semaphore, #tpu.memory_space<semaphore_mem>>
    %dma_start3A_1132 = arith.constant 15872 : i32
    %dma_start3A_1133 = arith.constant 0 : i32
    %dma_start3A_1134 = tpu.memref_slice %arg2[%dma_start3A_1132, %dma_start3A_1133] : memref<16384x2048xf32, #tpu.memory_space<hbm>> -> memref<256x2048xf32, #tpu.memory_space<hbm>>
    %dma_start3A_1135 = arith.constant 0 : i32
    %dma_start3A_1136 = arith.constant 0 : i32
    %dma_start3A_1137 = tpu.memref_slice %arg3[%dma_start3A_1128, %dma_start3A_1135, %dma_start3A_1136] : memref<5x1024x2048xf32, #tpu.memory_space<vmem>> -> memref<1x256x2048xf32, #tpu.memory_space<vmem>>
    %dma_start3A_1138 = tpu.memref_squeeze %dma_start3A_1137 : memref<1x256x2048xf32, #tpu.memory_space<vmem>> -> memref<256x2048xf32, #tpu.memory_space<vmem>>
    tpu.enqueue_dma source(%dma_start3A_1138 : memref<256x2048xf32, #tpu.memory_space<vmem>>) target(%dma_start3A_1134 : memref<256x2048xf32, #tpu.memory_space<hbm>>) target_semaphore(%dma_start3A_1131 : memref<!tpu.dma_semaphore, #tpu.memory_space<semaphore_mem>>)
    %dma_wait3A_1139 = arith.constant 4 : i32
    %dma_wait3A_1140 = arith.constant 4 : i32
    %dma_wait3A_1141 = tpu.memref_slice %arg4[%dma_wait3A_1140] : memref<5x!tpu.dma_semaphore, #tpu.memory_space<semaphore_mem>> -> memref<1x!tpu.dma_semaphore, #tpu.memory_space<semaphore_mem>>
    %dma_wait3A_1142 = tpu.memref_squeeze %dma_wait3A_1141 : memref<1x!tpu.dma_semaphore, #tpu.memory_space<semaphore_mem>> -> memref<!tpu.dma_semaphore, #tpu.memory_space<semaphore_mem>>
    %dma_wait3A_1143 = arith.constant 0 : i32
    %dma_wait3A_1144 = arith.constant 0 : i32
    %dma_wait3A_1145 = tpu.memref_slice %arg3[%dma_wait3A_1139, %dma_wait3A_1143, %dma_wait3A_1144] : memref<5x1024x2048xf32, #tpu.memory_space<vmem>> -> memref<1x256x2048xf32, #tpu.memory_space<vmem>>
    %dma_wait3A_1146 = tpu.memref_squeeze %dma_wait3A_1145 : memref<1x256x2048xf32, #tpu.memory_space<vmem>> -> memref<256x2048xf32, #tpu.memory_space<vmem>>
    %dma_wait3A_1147 = arith.constant 16128 : i32
    %dma_wait3A_1148 = arith.constant 0 : i32
    %dma_wait3A_1149 = tpu.memref_slice %arg0[%dma_wait3A_1147, %dma_wait3A_1148] : memref<16384x2048xf32, #tpu.memory_space<hbm>> -> memref<256x2048xf32, #tpu.memory_space<hbm>>
    tpu.wait_dma2 semaphore(%dma_wait3A_1142 : memref<!tpu.dma_semaphore, #tpu.memory_space<semaphore_mem>>) src(%dma_wait3A_1149 : memref<256x2048xf32, #tpu.memory_space<hbm>>) dst(%dma_wait3A_1146 : memref<256x2048xf32, #tpu.memory_space<vmem>>)
    %get3A_1150 = arith.constant 4 : index
    %get3A_1151 = arith.constant 0 : index
    %get3A_1152 = arith.constant 0 : index
    %get3A_1153 = vector.load %arg3[%get3A_1150, %get3A_1151, %get3A_1152] : memref<5x1024x2048xf32, #tpu.memory_space<vmem>>, vector<1x256x2048xf32>
    %get3A_1154 = vector.shape_cast %get3A_1153 : vector<1x256x2048xf32> to vector<256x2048xf32>
    %get3A_1155 = arith.constant 3 : index
    %get3A_1156 = arith.constant 0 : index
    %get3A_1157 = vector.load %arg1[%get3A_1155, %get3A_1156] : memref<8x2048xf32, #tpu.memory_space<vmem>>, vector<1x2048xf32>
    %get3A_1158 = vector.shape_cast %get3A_1157 : vector<1x2048xf32> to vector<2048xf32>
    %broadcast_in_dim3A_1159 = vector.shape_cast %get3A_1158 : vector<2048xf32> to vector<1x2048xf32>
    %add3A_1160 = vector.broadcast %broadcast_in_dim3A_1159 : vector<1x2048xf32> to vector<256x2048xf32>
    %add3A_1161 = arith.addf %get3A_1154, %add3A_1160 : vector<256x2048xf32>
    %swap3A_1162 = arith.constant 4 : index
    %swap3A_1163 = arith.constant 0 : index
    %swap3A_1164 = arith.constant 0 : index
    %swap3A_1165 = vector.load %arg3[%swap3A_1162, %swap3A_1163, %swap3A_1164] : memref<5x1024x2048xf32, #tpu.memory_space<vmem>>, vector<1x256x2048xf32>
    %swap3A_1166 = vector.shape_cast %swap3A_1165 : vector<1x256x2048xf32> to vector<256x2048xf32>
    %swap3A_1167 = vector.shape_cast %add3A_1161 : vector<256x2048xf32> to vector<1x256x2048xf32>
    tpu.vector_store %arg3[%swap3A_1162, %swap3A_1163, %swap3A_1164], %swap3A_1167 {strides = array<i32>} : memref<5x1024x2048xf32, #tpu.memory_space<vmem>>, vector<1x256x2048xf32>,
    %dma_start3A_1168 = arith.constant 4 : i32
    %dma_start3A_1169 = arith.constant 4 : i32
    %dma_start3A_1170 = tpu.memref_slice %arg5[%dma_start3A_1169] : memref<5x!tpu.dma_semaphore, #tpu.memory_space<semaphore_mem>> -> memref<1x!tpu.dma_semaphore, #tpu.memory_space<semaphore_mem>>
    %dma_start3A_1171 = tpu.memref_squeeze %dma_start3A_1170 : memref<1x!tpu.dma_semaphore, #tpu.memory_space<semaphore_mem>> -> memref<!tpu.dma_semaphore, #tpu.memory_space<semaphore_mem>>
    %dma_start3A_1172 = arith.constant 16128 : i32
    %dma_start3A_1173 = arith.constant 0 : i32
    %dma_start3A_1174 = tpu.memref_slice %arg2[%dma_start3A_1172, %dma_start3A_1173] : memref<16384x2048xf32, #tpu.memory_space<hbm>> -> memref<256x2048xf32, #tpu.memory_space<hbm>>
    %dma_start3A_1175 = arith.constant 0 : i32
    %dma_start3A_1176 = arith.constant 0 : i32
    %dma_start3A_1177 = tpu.memref_slice %arg3[%dma_start3A_1168, %dma_start3A_1175, %dma_start3A_1176] : memref<5x1024x2048xf32, #tpu.memory_space<vmem>> -> memref<1x256x2048xf32, #tpu.memory_space<vmem>>
    %dma_start3A_1178 = tpu.memref_squeeze %dma_start3A_1177 : memref<1x256x2048xf32, #tpu.memory_space<vmem>> -> memref<256x2048xf32, #tpu.memory_space<vmem>>
    tpu.enqueue_dma source(%dma_start3A_1178 : memref<256x2048xf32, #tpu.memory_space<vmem>>) target(%dma_start3A_1174 : memref<256x2048xf32, #tpu.memory_space<hbm>>) target_semaphore(%dma_start3A_1171 : memref<!tpu.dma_semaphore, #tpu.memory_space<semaphore_mem>>)
    %dma_wait3A_1179 = arith.constant 0 : i32
    %dma_wait3A_1180 = arith.constant 0 : i32
    %dma_wait3A_1181 = tpu.memref_slice %arg5[%dma_wait3A_1180] : memref<5x!tpu.dma_semaphore, #tpu.memory_space<semaphore_mem>> -> memref<1x!tpu.dma_semaphore, #tpu.memory_space<semaphore_mem>>
    %dma_wait3A_1182 = tpu.memref_squeeze %dma_wait3A_1181 : memref<1x!tpu.dma_semaphore, #tpu.memory_space<semaphore_mem>> -> memref<!tpu.dma_semaphore, #tpu.memory_space<semaphore_mem>>
    %dma_wait3A_1183 = arith.constant 13312 : i32
    %dma_wait3A_1184 = arith.constant 0 : i32
    %dma_wait3A_1185 = tpu.memref_slice %arg2[%dma_wait3A_1183, %dma_wait3A_1184] : memref<16384x2048xf32, #tpu.memory_space<hbm>> -> memref<1024x2048xf32, #tpu.memory_space<hbm>>
    %dma_wait3A_1186 = arith.constant 0 : i32
    %dma_wait3A_1187 = arith.constant 0 : i32
    %dma_wait3A_1188 = tpu.memref_slice %arg3[%dma_wait3A_1179, %dma_wait3A_1186, %dma_wait3A_1187] : memref<5x1024x2048xf32, #tpu.memory_space<vmem>> -> memref<1x1024x2048xf32, #tpu.memory_space<vmem>>
    %dma_wait3A_1189 = tpu.memref_squeeze %dma_wait3A_1188 : memref<1x1024x2048xf32, #tpu.memory_space<vmem>> -> memref<1024x2048xf32, #tpu.memory_space<vmem>>
    tpu.wait_dma2 semaphore(%dma_wait3A_1182 : memref<!tpu.dma_semaphore, #tpu.memory_space<semaphore_mem>>) src(%dma_wait3A_1189 : memref<1024x2048xf32, #tpu.memory_space<vmem>>) dst(%dma_wait3A_1185 : memref<1024x2048xf32, #tpu.memory_space<hbm>>)
    %dma_wait3A_1190 = arith.constant 1 : i32
    %dma_wait3A_1191 = arith.constant 1 : i32
    %dma_wait3A_1192 = tpu.memref_slice %arg5[%dma_wait3A_1191] : memref<5x!tpu.dma_semaphore, #tpu.memory_space<semaphore_mem>> -> memref<1x!tpu.dma_semaphore, #tpu.memory_space<semaphore_mem>>
    %dma_wait3A_1193 = tpu.memref_squeeze %dma_wait3A_1192 : memref<1x!tpu.dma_semaphore, #tpu.memory_space<semaphore_mem>> -> memref<!tpu.dma_semaphore, #tpu.memory_space<semaphore_mem>>
    %dma_wait3A_1194 = arith.constant 14336 : i32
    %dma_wait3A_1195 = arith.constant 0 : i32
    %dma_wait3A_1196 = tpu.memref_slice %arg2[%dma_wait3A_1194, %dma_wait3A_1195] : memref<16384x2048xf32, #tpu.memory_space<hbm>> -> memref<1024x2048xf32, #tpu.memory_space<hbm>>
    %dma_wait3A_1197 = arith.constant 0 : i32
    %dma_wait3A_1198 = arith.constant 0 : i32
    %dma_wait3A_1199 = tpu.memref_slice %arg3[%dma_wait3A_1190, %dma_wait3A_1197, %dma_wait3A_1198] : memref<5x1024x2048xf32, #tpu.memory_space<vmem>> -> memref<1x1024x2048xf32, #tpu.memory_space<vmem>>
    %dma_wait3A_1200 = tpu.memref_squeeze %dma_wait3A_1199 : memref<1x1024x2048xf32, #tpu.memory_space<vmem>> -> memref<1024x2048xf32, #tpu.memory_space<vmem>>
    tpu.wait_dma2 semaphore(%dma_wait3A_1193 : memref<!tpu.dma_semaphore, #tpu.memory_space<semaphore_mem>>) src(%dma_wait3A_1200 : memref<1024x2048xf32, #tpu.memory_space<vmem>>) dst(%dma_wait3A_1196 : memref<1024x2048xf32, #tpu.memory_space<hbm>>)
    %dma_wait3A_1201 = arith.constant 2 : i32
    %dma_wait3A_1202 = arith.constant 2 : i32
    %dma_wait3A_1203 = tpu.memref_slice %arg5[%dma_wait3A_1202] : memref<5x!tpu.dma_semaphore, #tpu.memory_space<semaphore_mem>> -> memref<1x!tpu.dma_semaphore, #tpu.memory_space<semaphore_mem>>
    %dma_wait3A_1204 = tpu.memref_squeeze %dma_wait3A_1203 : memref<1x!tpu.dma_semaphore, #tpu.memory_space<semaphore_mem>> -> memref<!tpu.dma_semaphore, #tpu.memory_space<semaphore_mem>>
    %dma_wait3A_1205 = arith.constant 15360 : i32
    %dma_wait3A_1206 = arith.constant 0 : i32
    %dma_wait3A_1207 = tpu.memref_slice %arg2[%dma_wait3A_1205, %dma_wait3A_1206] : memref<16384x2048xf32, #tpu.memory_space<hbm>> -> memref<512x2048xf32, #tpu.memory_space<hbm>>
    %dma_wait3A_1208 = arith.constant 0 : i32
    %dma_wait3A_1209 = arith.constant 0 : i32
    %dma_wait3A_1210 = tpu.memref_slice %arg3[%dma_wait3A_1201, %dma_wait3A_1208, %dma_wait3A_1209] : memref<5x1024x2048xf32, #tpu.memory_space<vmem>> -> memref<1x512x2048xf32, #tpu.memory_space<vmem>>
    %dma_wait3A_1211 = tpu.memref_squeeze %dma_wait3A_1210 : memref<1x512x2048xf32, #tpu.memory_space<vmem>> -> memref<512x2048xf32, #tpu.memory_space<vmem>>
    tpu.wait_dma2 semaphore(%dma_wait3A_1204 : memref<!tpu.dma_semaphore, #tpu.memory_space<semaphore_mem>>) src(%dma_wait3A_1211 : memref<512x2048xf32, #tpu.memory_space<vmem>>) dst(%dma_wait3A_1207 : memref<512x2048xf32, #tpu.memory_space<hbm>>)
    %dma_wait3A_1212 = arith.constant 3 : i32
    %dma_wait3A_1213 = arith.constant 3 : i32
    %dma_wait3A_1214 = tpu.memref_slice %arg5[%dma_wait3A_1213] : memref<5x!tpu.dma_semaphore, #tpu.memory_space<semaphore_mem>> -> memref<1x!tpu.dma_semaphore, #tpu.memory_space<semaphore_mem>>
    %dma_wait3A_1215 = tpu.memref_squeeze %dma_wait3A_1214 : memref<1x!tpu.dma_semaphore, #tpu.memory_space<semaphore_mem>> -> memref<!tpu.dma_semaphore, #tpu.memory_space<semaphore_mem>>
    %dma_wait3A_1216 = arith.constant 15872 : i32
    %dma_wait3A_1217 = arith.constant 0 : i32
    %dma_wait3A_1218 = tpu.memref_slice %arg2[%dma_wait3A_1216, %dma_wait3A_1217] : memref<16384x2048xf32, #tpu.memory_space<hbm>> -> memref<256x2048xf32, #tpu.memory_space<hbm>>
    %dma_wait3A_1219 = arith.constant 0 : i32
    %dma_wait3A_1220 = arith.constant 0 : i32
    %dma_wait3A_1221 = tpu.memref_slice %arg3[%dma_wait3A_1212, %dma_wait3A_1219, %dma_wait3A_1220] : memref<5x1024x2048xf32, #tpu.memory_space<vmem>> -> memref<1x256x2048xf32, #tpu.memory_space<vmem>>
    %dma_wait3A_1222 = tpu.memref_squeeze %dma_wait3A_1221 : memref<1x256x2048xf32, #tpu.memory_space<vmem>> -> memref<256x2048xf32, #tpu.memory_space<vmem>>
    tpu.wait_dma2 semaphore(%dma_wait3A_1215 : memref<!tpu.dma_semaphore, #tpu.memory_space<semaphore_mem>>) src(%dma_wait3A_1222 : memref<256x2048xf32, #tpu.memory_space<vmem>>) dst(%dma_wait3A_1218 : memref<256x2048xf32, #tpu.memory_space<hbm>>)
    %dma_wait3A_1223 = arith.constant 4 : i32
    %dma_wait3A_1224 = arith.constant 4 : i32
    %dma_wait3A_1225 = tpu.memref_slice %arg5[%dma_wait3A_1224] : memref<5x!tpu.dma_semaphore, #tpu.memory_space<semaphore_mem>> -> memref<1x!tpu.dma_semaphore, #tpu.memory_space<semaphore_mem>>
    %dma_wait3A_1226 = tpu.memref_squeeze %dma_wait3A_1225 : memref<1x!tpu.dma_semaphore, #tpu.memory_space<semaphore_mem>> -> memref<!tpu.dma_semaphore, #tpu.memory_space<semaphore_mem>>
    %dma_wait3A_1227 = arith.constant 16128 : i32
    %dma_wait3A_1228 = arith.constant 0 : i32
    %dma_wait3A_1229 = tpu.memref_slice %arg2[%dma_wait3A_1227, %dma_wait3A_1228] : memref<16384x2048xf32, #tpu.memory_space<hbm>> -> memref<256x2048xf32, #tpu.memory_space<hbm>>
    %dma_wait3A_1230 = arith.constant 0 : i32
    %dma_wait3A_1231 = arith.constant 0 : i32
    %dma_wait3A_1232 = tpu.memref_slice %arg3[%dma_wait3A_1223, %dma_wait3A_1230, %dma_wait3A_1231] : memref<5x1024x2048xf32, #tpu.memory_space<vmem>> -> memref<1x256x2048xf32, #tpu.memory_space<vmem>>
    %dma_wait3A_1233 = tpu.memref_squeeze %dma_wait3A_1232 : memref<1x256x2048xf32, #tpu.memory_space<vmem>> -> memref<256x2048xf32, #tpu.memory_space<vmem>>
    tpu.wait_dma2 semaphore(%dma_wait3A_1226 : memref<!tpu.dma_semaphore, #tpu.memory_space<semaphore_mem>>) src(%dma_wait3A_1233 : memref<256x2048xf32, #tpu.memory_space<vmem>>) dst(%dma_wait3A_1229 : memref<256x2048xf32, #tpu.memory_space<hbm>>)
    return
  }
}

</mosaic_0001>

<sc_bundles>
// kernel: kernel.4.cloned.1.call-start
scs
__scs_entry_jumppad:
0x0: {  	(pc) =	sbr.rel $0x88, $3  }
0x1: {  	(tag) =	ssettag $0x0;
	lr =	simm.s32 $0x1  }
0x2: {  	[smem:$0x3F9E] =	sst lr;
	_ =	strace $0xD0000000  }
0x3: {  	_ = 	snop  }
0x4: {  	_ = 	snop  }
0x5: {  	_ = 	snop  }
0x6: {  	_ = 	snop  }
0x7: {  	_ = 	snop  }
__scs_overlays_trampoline_lowered:
0x8: {  	[smem:$0x3FAD] =	sst s0  }
0x9: {  	[smem:$0x3FAE] =	sst s1  }
0xa: {  	[smem:$0x3FAF] =	sst s2  }
0xb: {  	[smem:$0x3FB0] =	sst s3  }
0xc: {  	[smem:$0x3FB1] =	sst s4  }
0xd: {  	[smem:$0x3FB2] =	sst s5  }
0xe: {  	[smem:$0x3FB3] =	sst s6  }
0xf: {  	[smem:$0x3FB4] =	sst s7  }
0x10: {  	[smem:$0x3FB5] =	sst s8  }
0x11: {  	[smem:$0x3FB6] =	sst s9;
	s0 =	simm.s32 @!p0 $0x0  }
0x12: {  	s1 =	sld [smem:$0x3F9C];
	s0 =	simm.s32 @p0 $0x1  }
0x13: {  	[smem:$0x3FB7] =	sst s0;
	s0 =	simm.s32 @!p1 $0x0  }
0x14: {  	s2 =	sld [smem:$0x3F9B];
	s0 =	simm.s32 @p1 $0x1  }
0x15: {  	[smem:$0x3FB8] =	sst s0;
	s0 =	simm.s32 @!p2 $0x0  }
0x16: {  	s3 =	sld [smem:$0x3FDB];
	s0 =	simm.s32 @p2 $0x1  }
0x17: {  	s4 =	simm.s32 $0x1BF5;
	[smem:$0x3FBA] =	sst s0  }
0x18: {  	s0 =	sld [smem:$0x3F9D];
	_ =	swait.ge [sflag:s4], $0x0  }
0x19: {  	s7 =	sld [smem:$0x3F9E]  }
0x1a: {  	s8 =	sadd.s32 $0xFFFFE003, lr  }
0x1b: {  	s9 =	sadd.s32 $0xFFFFFEF7, lr;
	s5 =	simm.s32 $0xFFFFFFFF;
	p2 =	slt.u32 s8, $0xFFFFF086  }
0x1c: {  	p1 =	slt.u32 s9, $0xF7A;
	s5 =	simm.s32 @!p2 $0x0  }
0x1d: {  	s5 =	simm.s32 @p1 $0x1;
	p0 =	seq.s32 s7, s2  }
0x1e: {  	s7 =	smul.u32 @!p0 $0xF7A, s2;
	p2 =	seq.s32 @!p0 s5, $0x0  }
0x1f: {  	s9 =	smul.u32 $0xF7A, s1;
	s8 =	simm.s32 @!p0 $0x1BF5;
	p2 =	por !p2, p0  }
0x20: {  	[sflag:s8] =	ssyncset.s32 @!p0 $0xFFFFF086;
	s6 =	sadd.s32 @!p0 s3, s7;
	s7 =	simm.s32 @!p0 $0x108  }
0x21: {  	s3 =	sadd.s32 s3, s9;
	s6 =	sadd.s32 @!p0 $0x88, s6;
	s7 =	simm.s32 @p2 $0x1082  }
0x22: {  	[simem:s7], [sflag:s8] =	dma.local @!p0 [hbm:s6], $0xF7A  }
0x23: {  	s9 =	sor.u32 $0xD0000000, s2;
	s6 =	simm.s32 $0x108;
	_ =	swait.ge @!p0 [sflag:s8], $0x0  }
0x24: {  	s3 =	sadd.s32 $0x88, s3;
	s6 =	simm.s32 @!p1 $0x1082;
	[sflag:s4] =	ssyncset.s32 $0xFFFFF086  }
0x25: {  	[simem:s6], [sflag:s4] =	dma.local [hbm:s3], $0xF7A  }
0x26: {  	[smem:$0x3F9E] =	sst s1;
	(tag) =	ssettag s2;
	_ =	strace s9  }
0x27: {  	s1 =	sld [smem:$0x3FAE]  }
0x28: {  	s2 =	sld [smem:$0x3FAF]  }
0x29: {  	s4 =	sld [smem:$0x3FB1]  }
0x2a: {  	p0 =	seq.s32 s5, $0x0;
	s5 =	sld [smem:$0x3FB2]  }
0x2b: {  	s6 =	sld [smem:$0x3FB3]  }
0x2c: {  	s7 =	sld [smem:$0x3FB4]  }
0x2d: {  	s3 =	simm.s32 $0x108;
	s8 =	sld [smem:$0x3FB5]  }
0x2e: {  	s3 =	simm.s32 @!p0 $0x1082;
	s9 =	sld [smem:$0x3FB6]  }
0x2f: {  	lr =	sadd.s32 s0, s3;
	s0 =	sld [smem:$0x3FAD]  }
0x30: {  	s3 =	sld [smem:$0x3FB0]  }
0x31: {  	[smem:$0x3FB9] =	sst s10  }
0x32: {  	s10 =	sld [smem:$0x3FB7];
	_ =	sdelay $0x3  }
0x33: {  	p0 =	seq.s32 s10, $0x1;
	s10 =	sld [smem:$0x3FB9];
	_ =	sdelay $0x3  }
0x34: {  	[smem:$0x3FB9] =	sst s10  }
0x35: {  	s10 =	sld [smem:$0x3FB8];
	_ =	sdelay $0x3  }
0x36: {  	p1 =	seq.s32 s10, $0x1;
	s10 =	sld [smem:$0x3FB9];
	_ =	sdelay $0x3  }
0x37: {  	[smem:$0x3FB9] =	sst s10  }
0x38: {  	s10 =	sld [smem:$0x3FBA]  }
0x39: {  	_ = 	snop;
	(pc) =	sbr.ind lr, $3  }
0x3a: {  	_ = 	snop  }
0x3b: {  	_ = 	snop  }
0x3c: {  	p2 =	seq.s32 s10, $0x1;
	s10 =	sld [smem:$0x3FB9]  }
0x3d: {  	_ =	shalt  }
0x3e: {  	_ =	shalt  }
0x3f: {  	_ =	shalt  }
0x40: {  	_ =	shalt  }
0x41: {  	_ =	shalt  }
0x42: {  	_ =	shalt  }
0x43: {  	_ =	shalt  }
0x44: {  	_ =	shalt  }
0x45: {  	_ =	shalt  }
0x46: {  	_ =	shalt  }
0x47: {  	_ =	shalt  }
0x48: {  	_ =	shalt  }
0x49: {  	_ =	shalt  }
0x4a: {  	_ =	shalt  }
0x4b: {  	_ =	shalt  }
0x4c: {  	_ =	shalt  }
0x4d: {  	_ =	shalt  }
0x4e: {  	_ =	shalt  }
0x4f: {  	_ =	shalt  }
0x50: {  	_ =	shalt  }
0x51: {  	_ =	shalt  }
0x52: {  	_ =	shalt  }
0x53: {  	_ =	shalt  }
0x54: {  	_ =	shalt  }
0x55: {  	_ =	shalt  }
0x56: {  	_ =	shalt  }
0x57: {  	_ =	shalt  }
0x58: {  	_ =	shalt  }
0x59: {  	_ =	shalt  }
0x5a: {  	_ =	shalt  }
0x5b: {  	_ =	shalt  }
0x5c: {  	_ =	shalt  }
0x5d: {  	_ =	shalt  }
0x5e: {  	_ =	shalt  }
0x5f: {  	_ =	shalt  }
0x60: {  	_ =	shalt  }
0x61: {  	_ =	shalt  }
0x62: {  	_ =	shalt  }
0x63: {  	_ =	shalt  }
0x64: {  	_ =	shalt  }
0x65: {  	_ =	shalt  }
0x66: {  	_ =	shalt  }
0x67: {  	_ =	shalt  }
0x68: {  	_ =	shalt  }
0x69: {  	_ =	shalt  }
0x6a: {  	_ =	shalt  }
0x6b: {  	_ =	shalt  }
0x6c: {  	_ =	shalt  }
0x6d: {  	_ =	shalt  }
0x6e: {  	_ =	shalt  }
0x6f: {  	_ =	shalt  }
0x70: {  	_ =	shalt  }
0x71: {  	_ =	shalt  }
0x72: {  	_ =	shalt  }
0x73: {  	_ =	shalt  }
0x74: {  	_ =	shalt  }
0x75: {  	_ =	shalt  }
0x76: {  	_ =	shalt  }
0x77: {  	_ =	shalt  }
0x78: {  	_ =	shalt  }
0x79: {  	_ =	shalt  }
0x7a: {  	_ =	shalt  }
0x7b: {  	_ =	shalt  }
0x7c: {  	_ =	shalt  }
0x7d: {  	_ =	shalt  }
0x7e: {  	_ =	shalt  }
0x7f: {  	_ =	shalt  }
0x80: {  	_ =	shalt  }
0x81: {  	_ =	shalt  }
0x82: {  	_ =	shalt  }
0x83: {  	_ =	shalt  }
0x84: {  	_ =	shalt  }
0x85: {  	_ =	shalt  }
0x86: {  	_ =	shalt  }
0x87: {  	_ =	shalt  }
.Lfunc_end0:
.L_simem_size_0:
called_computation_lowered:
.L_overlay_start_0:
0x88: {  	s2 =	sld [smem:$0x3FD9]  }
0x89: {  	s3 =	sld [smem:$0x3FFE];
	_ =	sdelay $0x1  }
0x8a: {  	s1 =	srdreg.scid  }
0x8b: {  	s0 =	sand.u32 $0x1, s1  }
0x8c: {  	s17 =	sshll.u32 s0, $0xA;
	s2 =	sadd.s32 s3, s2  }
0x8d: {  	s2 =	sadd.s32 s2, s17  }
0x8e: {  	[smem:$0x3FC5] =	sst s2  }
0x8f: {  	_ = 	snop  }
0x90: {  	s2 =	sld [smem:$0x3FC7]  }
0x91: {  	s18 =	sld [smem:$0x3FD0];
	(tm) =	ssettm $0x1  }
0x92: {  	s4 =	sld [smem:$0x3FFB];
	_ =	sdelay $0x3  }
0x93: {  	_ =	strace s4  }
0x94: {  	s4 =	sld [smem:$0x3FFC];
	_ =	sdelay $0x3  }
0x95: {  	_ =	strace s4  }
0x96: {  	s4 =	sld [smem:$0x3FFD];
	_ =	sdelay $0x3  }
0x97: {  	_ =	strace s4  }
0x98: {  	_ =	strace $0x8FFFFFFF  }
0x99: {  	s19 =	sld [smem:$0x3FDB];
	_ =	sdelay $0x1  }
0x9a: {  	s5 =	simm.s32 $_scs_section_size  }
0x9b: {  	s6 =	simm.s32 $_size__tile_overlayer_lowered;
	s7 =	simm.s32 $_tile_overlayer_lowered  }
0x9c: {  	s22 =	simm.s32 $0x1BFF;
	s21 =	sshll.u32 s7, $0x1;
	s4 =	sadd.s32 s5, s19  }
0x9d: {  	s8 =	simm.s32 $0x0;
	s20 =	sshll.u32 s6, $0x1;
	s6 =	sadd.s32 s21, s4  }
0x9e: {  	[timem:s8], [sflag:s22] =	dma.local [hbm:s6], s20  }
0x9f: {  	_ =	swait.ge [sflag:s22], s20  }
0xa0: {  	s5 =	ssub.s32 $0x0, s20;
	[sflag:s22] =	ssyncset.done $0x0  }
0xa1: {  	[sflag:s22] =	ssyncadd.s32 s5;
	_ =	sdelay $0x1  }
0xa2: {  	s23 =	simm.s32 $0x1B8B  }
0xa3: {  	_ =	swait.ge [sflag:s23], $0x1  }
0xa4: {  	[sflag:s23] =	ssyncset.done $0x0  }
0xa5: {  	s25 =	simm.s32 $0x1B8E;
	s24 =	sld [smem:$0x3FFE];
	[sflag:s23] =	ssyncadd.s32 $0xFFFFFFFF  }
0xa6: {  	s26 =	simm.s32 $execute0_lowered;
	[smem:$0x3FD2] =	sst s25  }
0xa7: {  	s6 =	sshll.u32 s26, $0x1;
	_ =	strace $0x80000046;
	[dreg:$0x1] =	wrdreg $0xFFFFFFFF  }
0xa8: {  	s28 =	simm.s32 $_size_execute0_lowered;
	s4 =	sadd.s32 s4, s6;
	[dreg:$0x0] =	wrdreg $0x0  }
0xa9: {  	s6 =	sshll.u32 s28, $0x1;
	[dreg:$0x2] =	wrdreg s4  }
0xaa: {  	[dreg:$0x3] =	wrdreg s6  }
0xab: {  	[dreg:$0x4] =	wrdreg $0xC0  }
0xac: {  	_ =	task [dreg:s8], $0x5FFFF  }
0xad: {  	[dreg:$0x1] =	wrdreg $0xFFFFFFFF  }
0xae: {  	[dreg:$0x0] =	wrdreg $0x60  }
0xaf: {  	[dreg:$0x2] =	wrdreg s18  }
0xb0: {  	[dreg:$0x3] =	wrdreg s2  }
0xb1: {  	[dreg:$0x4] =	wrdreg s24  }
0xb2: {  	[dreg:$0x5] =	wrdreg $0x9  }
0xb3: {  	_ =	task.clear_ibuf [dreg:s8], $0x6FFFF;
	_ =	strace $0x90000046  }
0xb4: {  	s29 =	simm.s32 $0x9;
	_ =	strace $0x80000048  }
0xb5: {  	_ =	swait.ge [sflag:s29], $0x1  }
0xb6: {  	[sflag:s29] =	ssyncadd.s32 $0xFFFFFFFF  }
0xb7: {  	_ =	strace $0x90000048  }
0xb8: {  	_ =	sfence  }
0xb9: {  	s30 =	sld [smem:$0x0];
	_ =	sdelay $0x2  }
0xba: {  	s31 =	sshll.u32 s1, $0xD;
	s1 =	sshrl.u32 s1, $0x2  }
0xbb: {  	s3 =	sand.u32 $0x4000, s31;
	s1 =	sadd.s32 s1, s30  }
0xbc: {  	s0 =	sor.u32 s3, s0;
	s1 =	sshll.u32 s1, $0x11  }
0xbd: {  	s0 =	sor.u32 s1, s0  }
0xbe: {  	s0 =	sadd.s32 $0x8F2B, s0  }
0xbf: {  	[sflag:s0] =	ssyncadd.remote.s32 $0x1  }
0xc0: {  	_ =	sfence.sel $0xFFFF  }
0xc1: {  	[dreg:$0x0] =	wrdreg $0xFFFFFFFF;
	(pc) =	sbr.abs _section_cstart, $3  }
0xc2: {  	[dreg:$0x1] =	wrdreg $0xFFFFFFFF  }
0xc3: {  	_ =	task.clear_ibuf [dreg:s8], $0x2FFFF;
	_ =	strace $0x9FFFFFFF  }
0xc4: {  	(tm) =	ssettm $0x7FFFFFFF  }
0xc5: {  	_ =	shalt  }
tec
execute0_lowered:
.L_overlay_start_1:
0x0: {  	(tag) =	ssettag $0x1  }
0x1: {  	s0 =	srdreg.scid  }
0x2: {  	s20 =	sand.u32 $0x1, s0;
	s0 =	stileid.u32  }
0x3: {  	s4 =	sshll.u32 s0, $0x1;
	s5 =	ssub.s32 $0x0, s20  }
0x4: {  	p0 =	sne.s32 s4, s5  }
.Ltmp0:
0x5: {  	_ = 	snop;
	(pc) =	sbr.rel @p0 .LBB2_4-.Ltmp0, $4  }
0x6: {  	s2 =	rddreg [dreg:$0x0]  }
0x7: {  	s3 =	rddreg [dreg:$0x1]  }
0x8: {  	s22 =	rddreg [dreg:$0x2]  }
0x9: {  	s1 =	rddreg [dreg:$0x3];
	_ =	strace $0x80000047  }
0xa: {  	s5 =	simm.s32 $0x0;
	s4 =	simm.s32 $0x2  }
0xb: {  	[tilespmem:s5], [sflag:$0x2] =	stream.linear.gather [hbm4b:s2+s5], $0x80, $0x38;
	[tilespmem:$0x4080] =	vst v63  }
0xc: {  	_ =	swait.ge [sflag:s4], $0x80  }
0xd: {  	[sflag:s4] =	ssyncset.done $0x0  }
0xe: {  	[sflag:s4] =	ssyncadd.s32 $0xFFFFFF80  }
0xf: {  	v0 =	vld.msk [tilespmem:$0x0], $0xff;
	_ =	sdelay $0x4  }
0x10: {  	v1 =	vshll.u32 v0, $0x4  }
0x11: {  	v2 =	vlaneseq.u32;
	v3 =	vand.u32 $0x7, v0;
	v1 =	vand.u32 $0xFFFFFF80, v1  }
0x12: {  	v0 =	vand.u32 $0x7, v2;
	v2 =	vshrl.u32 v2, $0x3;
	v3 =	vor.u32 v3, v1  }
0x13: {  	v1 =	vmul.u32 $0x8, v2;
	v2 =	vperm.xlane v3, v0;
	_ =	sdelay $0x1  }
0x14: {  	v2 =	vadd.s32 v1, v2;
	_ =	sdelay $0x3  }
0x15: {  	vm0 =	vmmov $0xffff;
	s6 =	simm.s32 $0x80  }
0x16: {  	[tilespmem:s6], [sflag:$0x1] =	stream.indirect_vreg.gather [hbm4b:s3+s5], $0x80, v2, vm0, $0xb8;
	[tilespmem:$0x4080] =	vst v63  }
0x17: {  	s7 =	sadd.s32 $0x100, s3;
	s8 =	simm.s32 $0x880  }
0x18: {  	[tilespmem:s8], [sflag:$0x1] =	stream.indirect_vreg.gather [hbm4b:s7+s5], $0x80, v2, vm0, $0xb8;
	[tilespmem:$0x4080] =	vst v63  }
0x19: {  	s9 =	sadd.s32 $0x200, s3;
	s10 =	simm.s32 $0x1080  }
0x1a: {  	[tilespmem:s10], [sflag:$0x1] =	stream.indirect_vreg.gather [hbm4b:s9+s5], $0x80, v2, vm0, $0xb8;
	[tilespmem:$0x4080] =	vst v63  }
0x1b: {  	s11 =	sadd.s32 $0x300, s3;
	s12 =	simm.s32 $0x1880;
	s13 =	sadd.s32 $0x400, s3  }
0x1c: {  	[tilespmem:s12], [sflag:$0x1] =	stream.indirect_vreg.gather [hbm4b:s11+s5], $0x80, v2, vm0, $0xb8;
	[tilespmem:$0x4080] =	vst v63  }
0x1d: {  	s14 =	simm.s32 $0x2080;
	s15 =	sadd.s32 $0x500, s3;
	s23 =	ssub.s32 $0x2, s20  }
0x1e: {  	[tilespmem:s14], [sflag:$0x1] =	stream.indirect_vreg.gather [hbm4b:s13+s5], $0x80, v2, vm0, $0xb8;
	[tilespmem:$0x4080] =	vst v63  }
0x1f: {  	s16 =	simm.s32 $0x2880;
	s17 =	sadd.s32 $0x600, s3;
	s24 =	sshrl.u32 s23, $0x1  }
0x20: {  	[tilespmem:s16], [sflag:$0x1] =	stream.indirect_vreg.gather [hbm4b:s15+s5], $0x80, v2, vm0, $0xb8;
	[tilespmem:$0x4080] =	vst v63  }
0x21: {  	s18 =	sadd.s32 $0x700, s3;
	s19 =	simm.s32 $0x3080;
	s23 =	ssub.s32 s23, s24  }
0x22: {  	[tilespmem:s19], [sflag:$0x1] =	stream.indirect_vreg.gather [hbm4b:s17+s5], $0x80, v2, vm0, $0xb8;
	[tilespmem:$0x4080] =	vst v63  }
0x23: {  	s20 =	simm.s32 $0x3880;
	s21 =	simm.s32 $0x1;
	s23 =	smax.u32 s23, $0x1  }
0x24: {  	[tilespmem:s20], [sflag:$0x1] =	stream.indirect_vreg.gather [hbm4b:s18+s5], $0x80, v2, vm0, $0xb8;
	[tilespmem:$0x4080] =	vst v63  }
0x25: {  	p0 =	sne.s32 s23, $0x1;
	_ =	swait.ge [sflag:s21], $0x4000  }
.Ltmp1:
0x26: {  	[sflag:s21] =	ssyncset.done $0x0;
	(pc) =	sbr.rel @!p0 .LBB2_3-.Ltmp1, $4  }
0x27: {  	s22 =	sadd.s32 $0x400, s22;
	[sflag:s21] =	ssyncadd.s32 $0xFFFFC000  }
0x28: {  	[hbm4b:s22+s5] =	stream.linear.scatter [tilespmem:s6], [sflag:$0x2], $0x4000, $0x38;
	[tilespmem:$0x4080] =	vst v63  }
0x29: {  	_ =	swait.ge [sflag:s4], $0x4000  }
0x2a: {  	s23 =	sadd.s32 $0xFFFFFFFF, s23;
	[sflag:s4] =	ssyncset.done $0x0  }
.LBB2_2:
0x2b: {  	p0 =	sne.s32 s23, $0x1;
	s23 =	sadd.s32 $0xFFFFFFFF, s23;
	[sflag:s4] =	ssyncadd.s32 $0xFFFFC000  }
0x2c: {  	[tilespmem:s5], [sflag:$0x2] =	stream.linear.gather [hbm4b:s2+s5], $0x80, $0x38;
	[tilespmem:$0x4080] =	vst v63  }
0x2d: {  	_ =	swait.ge [sflag:s4], $0x80  }
0x2e: {  	[sflag:s4] =	ssyncset.done $0x0  }
0x2f: {  	[sflag:s4] =	ssyncadd.s32 $0xFFFFFF80  }
0x30: {  	v2 =	vld.msk [tilespmem:$0x0], $0xff;
	_ =	sdelay $0x4  }
0x31: {  	v3 =	vshll.u32 v2, $0x4  }
0x32: {  	v2 =	vand.u32 $0x7, v2;
	v3 =	vand.u32 $0xFFFFFF80, v3  }
0x33: {  	v2 =	vor.u32 v2, v3  }
0x34: {  	v2 =	vperm.xlane v2, v0;
	_ =	sdelay $0x1  }
0x35: {  	v2 =	vadd.s32 v1, v2;
	_ =	sdelay $0x4  }
0x36: {  	[tilespmem:s6], [sflag:$0x1] =	stream.indirect_vreg.gather [hbm4b:s3+s5], $0x80, v2, vm0, $0xb8;
	[tilespmem:$0x4080] =	vst v63  }
0x37: {  	_ = 	snop  }
0x38: {  	[tilespmem:s8], [sflag:$0x1] =	stream.indirect_vreg.gather [hbm4b:s7+s5], $0x80, v2, vm0, $0xb8;
	[tilespmem:$0x4080] =	vst v63  }
0x39: {  	_ = 	snop  }
0x3a: {  	[tilespmem:s10], [sflag:$0x1] =	stream.indirect_vreg.gather [hbm4b:s9+s5], $0x80, v2, vm0, $0xb8;
	[tilespmem:$0x4080] =	vst v63  }
0x3b: {  	_ = 	snop  }
0x3c: {  	[tilespmem:s12], [sflag:$0x1] =	stream.indirect_vreg.gather [hbm4b:s11+s5], $0x80, v2, vm0, $0xb8;
	[tilespmem:$0x4080] =	vst v63  }
0x3d: {  	_ = 	snop  }
0x3e: {  	[tilespmem:s14], [sflag:$0x1] =	stream.indirect_vreg.gather [hbm4b:s13+s5], $0x80, v2, vm0, $0xb8;
	[tilespmem:$0x4080] =	vst v63  }
0x3f: {  	_ = 	snop  }
0x40: {  	[tilespmem:s16], [sflag:$0x1] =	stream.indirect_vreg.gather [hbm4b:s15+s5], $0x80, v2, vm0, $0xb8;
	[tilespmem:$0x4080] =	vst v63  }
0x41: {  	_ = 	snop  }
0x42: {  	[tilespmem:s19], [sflag:$0x1] =	stream.indirect_vreg.gather [hbm4b:s17+s5], $0x80, v2, vm0, $0xb8;
	[tilespmem:$0x4080] =	vst v63  }
0x43: {  	_ = 	snop  }
0x44: {  	[tilespmem:s20], [sflag:$0x1] =	stream.indirect_vreg.gather [hbm4b:s18+s5], $0x80, v2, vm0, $0xb8;
	[tilespmem:$0x4080] =	vst v63  }
0x45: {  	_ =	swait.ge [sflag:s21], $0x4000  }
.Ltmp2:
0x46: {  	[sflag:s21] =	ssyncset.done $0x0;
	(pc) =	sbr.rel @p0 .LBB2_2-.Ltmp2, $4  }
0x47: {  	[sflag:s21] =	ssyncadd.s32 $0xFFFFC000  }
0x48: {  	[hbm4b:s22+s5] =	stream.linear.scatter [tilespmem:s6], [sflag:$0x2], $0x4000, $0x38;
	[tilespmem:$0x4080] =	vst v63  }
0x49: {  	_ =	swait.ge [sflag:s4], $0x4000  }
0x4a: {  	[sflag:s4] =	ssyncset.done $0x0  }
.LBB2_3:
0x4b: {  	[sflag:s4] =	ssyncadd.s32 $0xFFFFC000  }
.LBB2_4:
0x4c: {  	_ =	sfence.sel $0x180000  }
0x4d: {  	[bflag:$0x0] =	sbarrier.arrive $0xFFFF  }
0x4e: {  	p0 =	sne.s32 s0, $0x0;
	_ =	strace $0x90000047  }
0x4f: {  	s0 =	sadd.s32 @!p0 $0x100000, s1;
	[bflag:$0x2] =	sbarrier.arrive $0xFFFF  }
0x50: {  	[sflag:s0] =	ssyncadd.tile.s32 @!p0 $0x1;
	_ =	shalt  }
.Lfunc_end2:
_tile_overlayer_lowered:
.L_overlay_start_2:
0x51: {  	(tag) =	ssettag $0x2  }
0x52: {  	s0 =	rddreg [dreg:$0x0];
	s2 =	stileid.u32  }
0x53: {  	s1 =	rddreg [dreg:$0x1];
	p0 =	sne.s32 s2, $0x0  }
0x54: {  	s3 =	rddreg [dreg:$0x2];
	[bflag:$0x3] =	sbarrier.arrive $0xFFFF;
	s2 =	simm.s32 @!p0 $0x1C02  }
0x55: {  	[timem:s3], [sflag:s2] =	dma.local @!p0 [hbm:s0], s1  }
0x56: {  	s0 =	simm.s32 @!p0 $0x2  }
0x57: {  	_ =	swait.ge @!p0 [sflag:s0], s1  }
0x58: {  	s1 =	ssub.s32 @!p0 $0x0, s1;
	[sflag:s0] =	ssyncset.done @!p0 $0x0  }
0x59: {  	[sflag:s0] =	ssyncadd.s32 @!p0 s1  }
0x5a: {  	[bflag:$0x3] =	sbarrier.arrive $0xFFFF  }
0x5b: {  	_ =	shalt  }

</sc_bundles>
